<compile_context>
chip_gen: v7x
topology: tpu7x:2x2x1
jax: 0.10.2.dev20260603
libtpu: 0.0.44.dev20260713+nightly
codegen_flags: <defaults>
</compile_context>

<pallas_src>
import functools

import jax
import jax.numpy as jnp
from jax import lax
from jax.experimental import pallas as pl
from jax.experimental.pallas import tpu as pltpu
from jax.experimental.pallas import tpu_sc as plsc

_L = 16
_NBUF = 3


def _make_sc_lookup_add(N, D, rows_per_w, C, nc):
    NCH = -(-rows_per_w // C)
    last_off = rows_per_w - C
    vregs_per_row = D // _L
    mesh = plsc.VectorSubcoreMesh(core_axis_name="c", subcore_axis_name="s")

    @functools.partial(
        pl.kernel,
        out_type=jax.ShapeDtypeStruct((N, D), jnp.float32),
        mesh=mesh,
        scratch_types=(
            [pltpu.VMEM((rows_per_w,), jnp.int32)]
            + [pltpu.VMEM((C, D), jnp.float32) for _ in range(2 * _NBUF)]
            + [pltpu.SemaphoreType.DMA for _ in range(3 * _NBUF)]
        ),
    )
    def body(x_hbm, idx_hbm, emb_hbm, out_hbm, idx_v, *bufs):
        XV = bufs[0:3]
        RV = bufs[3:6]
        SX = bufs[6:9]
        SG = bufs[9:12]
        SO = bufs[12:15]

        wid = lax.axis_index("s") * nc + lax.axis_index("c")
        w_base = wid * rows_per_w

        def coff(c):
            if isinstance(c, int):
                return min(c * C, last_off)
            return pl.multiple_of(jnp.minimum(c * C, last_off), 8)

        def start_in_x(c, b):
            pltpu.async_copy(x_hbm.at[pl.ds(w_base + coff(c), C)], XV[b], SX[b])

        def start_in_g(c, b):
            pltpu.async_copy(emb_hbm.at[idx_v.at[pl.ds(coff(c), C)]], RV[b],
                             SG[b])

        def start_in(c, b):
            start_in_x(c, b)
            start_in_g(c, b)

        def wait_in(b):
            pltpu.make_async_copy(x_hbm.at[pl.ds(0, C)], XV[b], SX[b]).wait()
            pltpu.make_async_copy(emb_hbm.at[idx_v.at[pl.ds(0, C)]], RV[b],
                                  SG[b]).wait()

        def compute(b):
            def row(r, carry):
                @plsc.parallel_loop(0, vregs_per_row, step=1, unroll=8)
                def _vloop(j):
                    sl = pl.ds(j * _L, _L)
                    plsc.addupdate(XV[b].at[r, sl], RV[b][r, sl])

                return carry

            lax.fori_loop(0, C, row, 0)

        def start_out(c, b):
            pltpu.async_copy(XV[b], out_hbm.at[pl.ds(w_base + coff(c), C)],
                             SO[b])

        def wait_out(b):
            pltpu.make_async_copy(XV[b], out_hbm.at[pl.ds(0, C)], SO[b]).wait()

        def step(c, b, first=False, last=False):
            wait_in(b)
            b2 = (b + 2) % _NBUF
            if not last:
                start_in_g(c + 2, b2)
            compute(b)
            start_out(c, b)
            if not last:
                if not first:
                    wait_out(b2)
                start_in_x(c + 2, b2)

        G = (NCH - 5) // 3
        for b in range(_NBUF):
            start_in_x(b, b)
        pltpu.sync_copy(idx_hbm.at[pl.ds(pl.multiple_of(w_base, 8), rows_per_w)],
                        idx_v)
        for b in range(_NBUF):
            start_in_g(b, b)
        step(0, 0, first=True, last=True)
        step(1, 1)
        step(2, 2)

        def g_body(g, carry):
            c0 = 3 * g
            step(c0, 0)
            step(c0 + 1, 1)
            step(c0 + 2, 2)
            return carry

        lax.fori_loop(1, 1 + G, g_body, 0)
        for c in range(3 + 3 * G, NCH):
            step(c, c % 3, last=(c + 2 >= NCH))
        for b in range(_NBUF):
            wait_out(b)

    return body


def kernel(x, pos, emb):
    S, B, D = x.shape
    N = S * B

    info = plsc.get_sparse_core_info()
    nc, ns = info.num_cores, info.num_subcores
    rows_per_w = N // (nc * ns)
    chunk_rows = 16

    idx = pos.T.reshape(N)
    x2 = x.reshape(N, D)

    fn = _make_sc_lookup_add(N, D, rows_per_w, chunk_rows, nc)
    out = fn(x2, idx, emb)
    return out.reshape(S, B, D)

# --- scband reference (transcript-rebuilt; emitter-appended) ---
"""Pipeline reference for scband-learned-position-encoding-85177791414533 (READ-ONLY COPY).

The authoritative reference and input builder live on the scoring server;
editing this copy changes nothing except your own understanding.
"""

import jax, jax.numpy as jnp
import numpy as np

MAX_POS = 502
D_MODEL = 1024
B = 64
S = 500

def setup_inputs(seed: int = 0) -> dict:
    key = jax.random.key(seed)
    k1, k2, k3 = jax.random.split(key, 3)
    x = jax.random.normal(k1, (S, B, D_MODEL), dtype=jnp.float32)
    pos = jax.random.randint(k2, (B, S), 0, MAX_POS, dtype=jnp.int32)
    emb = jax.random.normal(k3, (MAX_POS, D_MODEL), dtype=jnp.float32)
    emb = emb.at[0].set(0.0)  # padding_idx=0
    return {"x": x, "pos": pos, "emb": emb}

def reference(x, pos, emb):
    # nn.Embedding with padding_idx=0: row 0 is forced to zero
    table = emb.at[0].set(0.0)
    w = jnp.take(table, pos, axis=0)          # [B, S, D]
    w = jnp.transpose(w, (1, 0, 2))            # transpose(0, 1) -> [S, B, D]
    out = x + w
    # dropout p=0.0 -> identity
    return out

if __name__ == "__main__":
    import jax
    _d = setup_inputs()
    print(jax.jit(kernel)(*tuple(_d.values())))

</pallas_src>

<mosaic_0001>
#map = affine_map<(d0, d1) -> (0, 0)>
#map1 = affine_map<(d0, d1) -> (0)>
module attributes {stable_mosaic.version = 14 : i64} {
  func.func @body(%arg0: i32, %arg1: i32, %arg2: memref<32000x1024xf32, #tpu.memory_space<hbm>>, %arg3: memref<32000xi32, #tpu.memory_space<hbm>>, %arg4: memref<502x1024xf32, #tpu.memory_space<hbm>>, %arg5: memref<32000x1024xf32, #tpu.memory_space<hbm>>, %arg6: memref<1000xi32, #tpu.memory_space<vmem>>, %arg7: memref<16x1024xf32, #tpu.memory_space<vmem>>, %arg8: memref<16x1024xf32, #tpu.memory_space<vmem>>, %arg9: memref<16x1024xf32, #tpu.memory_space<vmem>>, %arg10: memref<16x1024xf32, #tpu.memory_space<vmem>>, %arg11: memref<16x1024xf32, #tpu.memory_space<vmem>>, %arg12: memref<16x1024xf32, #tpu.memory_space<vmem>>, %arg13: memref<!tpu.dma_semaphore, #tpu.memory_space<semaphore_mem>>, %arg14: memref<!tpu.dma_semaphore, #tpu.memory_space<semaphore_mem>>, %arg15: memref<!tpu.dma_semaphore, #tpu.memory_space<semaphore_mem>>, %arg16: memref<!tpu.dma_semaphore, #tpu.memory_space<semaphore_mem>>, %arg17: memref<!tpu.dma_semaphore, #tpu.memory_space<semaphore_mem>>, %arg18: memref<!tpu.dma_semaphore, #tpu.memory_space<semaphore_mem>>, %arg19: memref<!tpu.dma_semaphore, #tpu.memory_space<semaphore_mem>>, %arg20: memref<!tpu.dma_semaphore, #tpu.memory_space<semaphore_mem>>, %arg21: memref<!tpu.dma_semaphore, #tpu.memory_space<semaphore_mem>>) attributes {dimension_semantics = [#tpu.dimension_semantics<core_parallel>, #tpu.dimension_semantics<subcore_parallel>], iteration_bounds = array<i64: 2, 16>, scalar_prefetch = 0 : i64, scratch_operands = 16 : i64, tpu.core_type = #tpu.core_type<sc_vector_subcore>, window_params = [{transform_indices = #map}, {transform_indices = #map1}, {transform_indices = #map}, {transform_indices = #map}]} {
    %mul3A = arith.constant 2 : i32
    %mul3A_0 = arith.muli %arg1, %mul3A : i32
    %add3A = arith.addi %mul3A_0, %arg0 : i32
    %mul3A_1 = arith.constant 1000 : i32
    %mul3A_2 = arith.muli %add3A, %mul3A_1 : i32
    %add3A_3 = arith.constant 0 : i32
    %add3A_4 = arith.addi %mul3A_2, %add3A_3 : i32
    %dma_start3A = arith.constant 0 : i32
    %dma_start3A_5 = tpu.memref_slice %arg2[%add3A_4, %dma_start3A] : memref<32000x1024xf32, #tpu.memory_space<hbm>> -> memref<16x1024xf32, #tpu.memory_space<hbm>>
    %dma_start3A_6 = arith.constant 0 : i32
    %dma_start3A_7 = tpu.memref_slice %arg2[%add3A_4, %dma_start3A_6] : memref<32000x1024xf32, #tpu.memory_space<hbm>> -> memref<16x1024xf32, #tpu.memory_space<hbm>>
    tpu.enqueue_dma source(%dma_start3A_7 : memref<16x1024xf32, #tpu.memory_space<hbm>>) target(%arg7 : memref<16x1024xf32, #tpu.memory_space<vmem>>) target_semaphore(%arg13 : memref<!tpu.dma_semaphore, #tpu.memory_space<semaphore_mem>>)
    %add3A_8 = arith.constant 16 : i32
    %add3A_9 = arith.addi %mul3A_2, %add3A_8 : i32
    %dma_start3A_10 = arith.constant 0 : i32
    %dma_start3A_11 = tpu.memref_slice %arg2[%add3A_9, %dma_start3A_10] : memref<32000x1024xf32, #tpu.memory_space<hbm>> -> memref<16x1024xf32, #tpu.memory_space<hbm>>
    %dma_start3A_12 = arith.constant 0 : i32
    %dma_start3A_13 = tpu.memref_slice %arg2[%add3A_9, %dma_start3A_12] : memref<32000x1024xf32, #tpu.memory_space<hbm>> -> memref<16x1024xf32, #tpu.memory_space<hbm>>
    tpu.enqueue_dma source(%dma_start3A_13 : memref<16x1024xf32, #tpu.memory_space<hbm>>) target(%arg8 : memref<16x1024xf32, #tpu.memory_space<vmem>>) target_semaphore(%arg14 : memref<!tpu.dma_semaphore, #tpu.memory_space<semaphore_mem>>)
    %add3A_14 = arith.constant 32 : i32
    %add3A_15 = arith.addi %mul3A_2, %add3A_14 : i32
    %dma_start3A_16 = arith.constant 0 : i32
    %dma_start3A_17 = tpu.memref_slice %arg2[%add3A_15, %dma_start3A_16] : memref<32000x1024xf32, #tpu.memory_space<hbm>> -> memref<16x1024xf32, #tpu.memory_space<hbm>>
    %dma_start3A_18 = arith.constant 0 : i32
    %dma_start3A_19 = tpu.memref_slice %arg2[%add3A_15, %dma_start3A_18] : memref<32000x1024xf32, #tpu.memory_space<hbm>> -> memref<16x1024xf32, #tpu.memory_space<hbm>>
    tpu.enqueue_dma source(%dma_start3A_19 : memref<16x1024xf32, #tpu.memory_space<hbm>>) target(%arg9 : memref<16x1024xf32, #tpu.memory_space<vmem>>) target_semaphore(%arg15 : memref<!tpu.dma_semaphore, #tpu.memory_space<semaphore_mem>>)
    %multiple_of3A = tpu.assume_multiple %mul3A_2, 8 : i32
    "tpu.region"() ({
      %run_scoped3A = tpu.sem_alloc : memref<!tpu.dma_semaphore, #tpu.memory_space<semaphore_mem>>
      %dma_start3A_246 = tpu.memref_slice %arg3[%multiple_of3A] : memref<32000xi32, #tpu.memory_space<hbm>> -> memref<1000xi32, #tpu.memory_space<hbm>>
      %dma_start3A_247 = tpu.memref_slice %arg3[%multiple_of3A] : memref<32000xi32, #tpu.memory_space<hbm>> -> memref<1000xi32, #tpu.memory_space<hbm>>
      tpu.enqueue_dma source(%dma_start3A_247 : memref<1000xi32, #tpu.memory_space<hbm>>) target(%arg6 : memref<1000xi32, #tpu.memory_space<vmem>>) target_semaphore(%run_scoped3A : memref<!tpu.dma_semaphore, #tpu.memory_space<semaphore_mem>>)
      %dma_wait3A_248 = tpu.memref_slice %arg3[%multiple_of3A] : memref<32000xi32, #tpu.memory_space<hbm>> -> memref<1000xi32, #tpu.memory_space<hbm>>
      %dma_wait3A_249 = tpu.memref_slice %arg3[%multiple_of3A] : memref<32000xi32, #tpu.memory_space<hbm>> -> memref<1000xi32, #tpu.memory_space<hbm>>
      tpu.wait_dma2 semaphore(%run_scoped3A : memref<!tpu.dma_semaphore, #tpu.memory_space<semaphore_mem>>) src(%dma_wait3A_249 : memref<1000xi32, #tpu.memory_space<hbm>>) dst(%arg6 : memref<1000xi32, #tpu.memory_space<vmem>>)
      tpu.yield
    }) : () -> ()
    %dma_start3A_20 = arith.constant 0 : i32
    %dma_start3A_21 = tpu.memref_slice %arg6[%dma_start3A_20] : memref<1000xi32, #tpu.memory_space<vmem>> -> memref<16xi32, #tpu.memory_space<vmem>>
    %dma_start3A_22 = arith.constant 0 : i32
    %dma_start3A_23 = arith.constant 0 : i32
    %dma_start3A_24 = tpu.memref_slice %arg4[%dma_start3A_22, %dma_start3A_23] : memref<502x1024xf32, #tpu.memory_space<hbm>> -> memref<502x1024xf32, #tpu.memory_space<hbm>>
    tpu.enqueue_indirect_dma source(%dma_start3A_24 : memref<502x1024xf32, #tpu.memory_space<hbm>>) target(%arg10 : memref<16x1024xf32, #tpu.memory_space<vmem>>) offsets(%dma_start3A_21 : memref<16xi32, #tpu.memory_space<vmem>>) semaphore(%arg16 : memref<!tpu.dma_semaphore, #tpu.memory_space<semaphore_mem>>)
    %dma_start3A_25 = arith.constant 16 : i32
    %dma_start3A_26 = tpu.memref_slice %arg6[%dma_start3A_25] : memref<1000xi32, #tpu.memory_space<vmem>> -> memref<16xi32, #tpu.memory_space<vmem>>
    %dma_start3A_27 = arith.constant 0 : i32
    %dma_start3A_28 = arith.constant 0 : i32
    %dma_start3A_29 = tpu.memref_slice %arg4[%dma_start3A_27, %dma_start3A_28] : memref<502x1024xf32, #tpu.memory_space<hbm>> -> memref<502x1024xf32, #tpu.memory_space<hbm>>
    tpu.enqueue_indirect_dma source(%dma_start3A_29 : memref<502x1024xf32, #tpu.memory_space<hbm>>) target(%arg11 : memref<16x1024xf32, #tpu.memory_space<vmem>>) offsets(%dma_start3A_26 : memref<16xi32, #tpu.memory_space<vmem>>) semaphore(%arg17 : memref<!tpu.dma_semaphore, #tpu.memory_space<semaphore_mem>>)
    %dma_start3A_30 = arith.constant 32 : i32
    %dma_start3A_31 = tpu.memref_slice %arg6[%dma_start3A_30] : memref<1000xi32, #tpu.memory_space<vmem>> -> memref<16xi32, #tpu.memory_space<vmem>>
    %dma_start3A_32 = arith.constant 0 : i32
    %dma_start3A_33 = arith.constant 0 : i32
    %dma_start3A_34 = tpu.memref_slice %arg4[%dma_start3A_32, %dma_start3A_33] : memref<502x1024xf32, #tpu.memory_space<hbm>> -> memref<502x1024xf32, #tpu.memory_space<hbm>>
    tpu.enqueue_indirect_dma source(%dma_start3A_34 : memref<502x1024xf32, #tpu.memory_space<hbm>>) target(%arg12 : memref<16x1024xf32, #tpu.memory_space<vmem>>) offsets(%dma_start3A_31 : memref<16xi32, #tpu.memory_space<vmem>>) semaphore(%arg18 : memref<!tpu.dma_semaphore, #tpu.memory_space<semaphore_mem>>)
    %dma_wait3A = arith.constant 0 : i32
    %dma_wait3A_35 = arith.constant 0 : i32
    %dma_wait3A_36 = tpu.memref_slice %arg2[%dma_wait3A, %dma_wait3A_35] : memref<32000x1024xf32, #tpu.memory_space<hbm>> -> memref<16x1024xf32, #tpu.memory_space<hbm>>
    %dma_wait3A_37 = arith.constant 0 : i32
    %dma_wait3A_38 = arith.constant 0 : i32
    %dma_wait3A_39 = tpu.memref_slice %arg2[%dma_wait3A_37, %dma_wait3A_38] : memref<32000x1024xf32, #tpu.memory_space<hbm>> -> memref<16x1024xf32, #tpu.memory_space<hbm>>
    tpu.wait_dma2 semaphore(%arg13 : memref<!tpu.dma_semaphore, #tpu.memory_space<semaphore_mem>>) src(%dma_wait3A_39 : memref<16x1024xf32, #tpu.memory_space<hbm>>) dst(%arg7 : memref<16x1024xf32, #tpu.memory_space<vmem>>)
    %dma_wait3A_40 = arith.constant 0 : i32
    %dma_wait3A_41 = tpu.memref_slice %arg6[%dma_wait3A_40] : memref<1000xi32, #tpu.memory_space<vmem>> -> memref<16xi32, #tpu.memory_space<vmem>>
    %dma_wait3A_42 = arith.constant 0 : i32
    %dma_wait3A_43 = arith.constant 0 : i32
    %dma_wait3A_44 = tpu.memref_slice %arg4[%dma_wait3A_42, %dma_wait3A_43] : memref<502x1024xf32, #tpu.memory_space<hbm>> -> memref<502x1024xf32, #tpu.memory_space<hbm>>
    tpu.wait_indirect_dma semaphore(%arg16 : memref<!tpu.dma_semaphore, #tpu.memory_space<semaphore_mem>>) src(%dma_wait3A_44 : memref<502x1024xf32, #tpu.memory_space<hbm>>) dst(%arg10 : memref<16x1024xf32, #tpu.memory_space<vmem>>)
    %scan3A = arith.constant 0 : i32
    %scan3A_45 = arith.constant 0 : i32
    %scan3A_46 = arith.constant 16 : i32
    %scan3A_47 = arith.addi %scan3A_45, %scan3A_46 : i32
    %scan3A_48 = arith.constant 1 : i32
    scf.for %scan3A_246 = %scan3A_45 to %scan3A_47 step %scan3A_48  : i32 {
      %parallel_loop3A = arith.constant 0 : i32
      %parallel_loop3A_247 = arith.constant 64 : i32
      %parallel_loop3A_248 = arith.constant 1 : i32
      scf.for %parallel_loop3A_249 = %parallel_loop3A to %parallel_loop3A_247 step %parallel_loop3A_248  : i32 {
        %parallel_loop3A_250 = arith.constant 16 : i32
        %parallel_loop3A_251 = arith.muli %parallel_loop3A_249, %parallel_loop3A_250 : i32
        %parallel_loop3A_252 = arith.index_cast %scan3A_246 : i32 to index
        %parallel_loop3A_253 = arith.index_cast %parallel_loop3A_251 : i32 to index
        %parallel_loop3A_254 = tpu.vector_load %arg10[%parallel_loop3A_252, %parallel_loop3A_253] {strides = array<i32>} : memref<16x1024xf32, #tpu.memory_space<vmem>>, vector<1x16xf32>,
        %parallel_loop3A_255 = vector.shape_cast %parallel_loop3A_254 : vector<1x16xf32> to vector<16xf32>
        %parallel_loop3A_256 = arith.index_cast %scan3A_246 : i32 to index
        %parallel_loop3A_257 = arith.index_cast %parallel_loop3A_251 : i32 to index
        %parallel_loop3A_258 = tpu.vector_load %arg7[%parallel_loop3A_256, %parallel_loop3A_257] {strides = array<i32>} : memref<16x1024xf32, #tpu.memory_space<vmem>>, vector<1x16xf32>,
        %parallel_loop3A_259 = vector.shape_cast %parallel_loop3A_258 : vector<1x16xf32> to vector<16xf32>
        %parallel_loop3A_260 = vector.shape_cast %parallel_loop3A_255 : vector<16xf32> to vector<1x16xf32>
        tpu.vector_store %arg7[%parallel_loop3A_256, %parallel_loop3A_257], %parallel_loop3A_260 {add = true, strides = array<i32>} : memref<16x1024xf32, #tpu.memory_space<vmem>>, vector<1x16xf32>,
      } {sc.loop_unroll_factor = 8 : i64, sc.parallel_access}
    }
    %scan3A_49 = arith.constant 16 : i32
    %add3A_50 = arith.constant 0 : i32
    %add3A_51 = arith.addi %mul3A_2, %add3A_50 : i32
    %dma_start3A_52 = arith.constant 0 : i32
    %dma_start3A_53 = tpu.memref_slice %arg5[%add3A_51, %dma_start3A_52] : memref<32000x1024xf32, #tpu.memory_space<hbm>> -> memref<16x1024xf32, #tpu.memory_space<hbm>>
    %dma_start3A_54 = arith.constant 0 : i32
    %dma_start3A_55 = tpu.memref_slice %arg5[%add3A_51, %dma_start3A_54] : memref<32000x1024xf32, #tpu.memory_space<hbm>> -> memref<16x1024xf32, #tpu.memory_space<hbm>>
    tpu.enqueue_dma source(%arg7 : memref<16x1024xf32, #tpu.memory_space<vmem>>) target(%dma_start3A_55 : memref<16x1024xf32, #tpu.memory_space<hbm>>) target_semaphore(%arg19 : memref<!tpu.dma_semaphore, #tpu.memory_space<semaphore_mem>>)
    %dma_wait3A_56 = arith.constant 0 : i32
    %dma_wait3A_57 = arith.constant 0 : i32
    %dma_wait3A_58 = tpu.memref_slice %arg2[%dma_wait3A_56, %dma_wait3A_57] : memref<32000x1024xf32, #tpu.memory_space<hbm>> -> memref<16x1024xf32, #tpu.memory_space<hbm>>
    %dma_wait3A_59 = arith.constant 0 : i32
    %dma_wait3A_60 = arith.constant 0 : i32
    %dma_wait3A_61 = tpu.memref_slice %arg2[%dma_wait3A_59, %dma_wait3A_60] : memref<32000x1024xf32, #tpu.memory_space<hbm>> -> memref<16x1024xf32, #tpu.memory_space<hbm>>
    tpu.wait_dma2 semaphore(%arg14 : memref<!tpu.dma_semaphore, #tpu.memory_space<semaphore_mem>>) src(%dma_wait3A_61 : memref<16x1024xf32, #tpu.memory_space<hbm>>) dst(%arg8 : memref<16x1024xf32, #tpu.memory_space<vmem>>)
    %dma_wait3A_62 = arith.constant 0 : i32
    %dma_wait3A_63 = tpu.memref_slice %arg6[%dma_wait3A_62] : memref<1000xi32, #tpu.memory_space<vmem>> -> memref<16xi32, #tpu.memory_space<vmem>>
    %dma_wait3A_64 = arith.constant 0 : i32
    %dma_wait3A_65 = arith.constant 0 : i32
    %dma_wait3A_66 = tpu.memref_slice %arg4[%dma_wait3A_64, %dma_wait3A_65] : memref<502x1024xf32, #tpu.memory_space<hbm>> -> memref<502x1024xf32, #tpu.memory_space<hbm>>
    tpu.wait_indirect_dma semaphore(%arg17 : memref<!tpu.dma_semaphore, #tpu.memory_space<semaphore_mem>>) src(%dma_wait3A_66 : memref<502x1024xf32, #tpu.memory_space<hbm>>) dst(%arg11 : memref<16x1024xf32, #tpu.memory_space<vmem>>)
    %dma_start3A_67 = arith.constant 48 : i32
    %dma_start3A_68 = tpu.memref_slice %arg6[%dma_start3A_67] : memref<1000xi32, #tpu.memory_space<vmem>> -> memref<16xi32, #tpu.memory_space<vmem>>
    %dma_start3A_69 = arith.constant 0 : i32
    %dma_start3A_70 = arith.constant 0 : i32
    %dma_start3A_71 = tpu.memref_slice %arg4[%dma_start3A_69, %dma_start3A_70] : memref<502x1024xf32, #tpu.memory_space<hbm>> -> memref<502x1024xf32, #tpu.memory_space<hbm>>
    tpu.enqueue_indirect_dma source(%dma_start3A_71 : memref<502x1024xf32, #tpu.memory_space<hbm>>) target(%arg10 : memref<16x1024xf32, #tpu.memory_space<vmem>>) offsets(%dma_start3A_68 : memref<16xi32, #tpu.memory_space<vmem>>) semaphore(%arg16 : memref<!tpu.dma_semaphore, #tpu.memory_space<semaphore_mem>>)
    %scan3A_72 = arith.constant 0 : i32
    %scan3A_73 = arith.constant 0 : i32
    %scan3A_74 = arith.constant 16 : i32
    %scan3A_75 = arith.addi %scan3A_73, %scan3A_74 : i32
    %scan3A_76 = arith.constant 1 : i32
    scf.for %scan3A_246 = %scan3A_73 to %scan3A_75 step %scan3A_76  : i32 {
      %parallel_loop3A = arith.constant 0 : i32
      %parallel_loop3A_247 = arith.constant 64 : i32
      %parallel_loop3A_248 = arith.constant 1 : i32
      scf.for %parallel_loop3A_249 = %parallel_loop3A to %parallel_loop3A_247 step %parallel_loop3A_248  : i32 {
        %parallel_loop3A_250 = arith.constant 16 : i32
        %parallel_loop3A_251 = arith.muli %parallel_loop3A_249, %parallel_loop3A_250 : i32
        %parallel_loop3A_252 = arith.index_cast %scan3A_246 : i32 to index
        %parallel_loop3A_253 = arith.index_cast %parallel_loop3A_251 : i32 to index
        %parallel_loop3A_254 = tpu.vector_load %arg11[%parallel_loop3A_252, %parallel_loop3A_253] {strides = array<i32>} : memref<16x1024xf32, #tpu.memory_space<vmem>>, vector<1x16xf32>,
        %parallel_loop3A_255 = vector.shape_cast %parallel_loop3A_254 : vector<1x16xf32> to vector<16xf32>
        %parallel_loop3A_256 = arith.index_cast %scan3A_246 : i32 to index
        %parallel_loop3A_257 = arith.index_cast %parallel_loop3A_251 : i32 to index
        %parallel_loop3A_258 = tpu.vector_load %arg8[%parallel_loop3A_256, %parallel_loop3A_257] {strides = array<i32>} : memref<16x1024xf32, #tpu.memory_space<vmem>>, vector<1x16xf32>,
        %parallel_loop3A_259 = vector.shape_cast %parallel_loop3A_258 : vector<1x16xf32> to vector<16xf32>
        %parallel_loop3A_260 = vector.shape_cast %parallel_loop3A_255 : vector<16xf32> to vector<1x16xf32>
        tpu.vector_store %arg8[%parallel_loop3A_256, %parallel_loop3A_257], %parallel_loop3A_260 {add = true, strides = array<i32>} : memref<16x1024xf32, #tpu.memory_space<vmem>>, vector<1x16xf32>,
      } {sc.loop_unroll_factor = 8 : i64, sc.parallel_access}
    }
    %scan3A_77 = arith.constant 16 : i32
    %add3A_78 = arith.constant 16 : i32
    %add3A_79 = arith.addi %mul3A_2, %add3A_78 : i32
    %dma_start3A_80 = arith.constant 0 : i32
    %dma_start3A_81 = tpu.memref_slice %arg5[%add3A_79, %dma_start3A_80] : memref<32000x1024xf32, #tpu.memory_space<hbm>> -> memref<16x1024xf32, #tpu.memory_space<hbm>>
    %dma_start3A_82 = arith.constant 0 : i32
    %dma_start3A_83 = tpu.memref_slice %arg5[%add3A_79, %dma_start3A_82] : memref<32000x1024xf32, #tpu.memory_space<hbm>> -> memref<16x1024xf32, #tpu.memory_space<hbm>>
    tpu.enqueue_dma source(%arg8 : memref<16x1024xf32, #tpu.memory_space<vmem>>) target(%dma_start3A_83 : memref<16x1024xf32, #tpu.memory_space<hbm>>) target_semaphore(%arg20 : memref<!tpu.dma_semaphore, #tpu.memory_space<semaphore_mem>>)
    %dma_wait3A_84 = arith.constant 0 : i32
    %dma_wait3A_85 = arith.constant 0 : i32
    %dma_wait3A_86 = tpu.memref_slice %arg5[%dma_wait3A_84, %dma_wait3A_85] : memref<32000x1024xf32, #tpu.memory_space<hbm>> -> memref<16x1024xf32, #tpu.memory_space<hbm>>
    %dma_wait3A_87 = arith.constant 0 : i32
    %dma_wait3A_88 = arith.constant 0 : i32
    %dma_wait3A_89 = tpu.memref_slice %arg5[%dma_wait3A_87, %dma_wait3A_88] : memref<32000x1024xf32, #tpu.memory_space<hbm>> -> memref<16x1024xf32, #tpu.memory_space<hbm>>
    tpu.wait_dma2 semaphore(%arg19 : memref<!tpu.dma_semaphore, #tpu.memory_space<semaphore_mem>>) src(%arg7 : memref<16x1024xf32, #tpu.memory_space<vmem>>) dst(%dma_wait3A_89 : memref<16x1024xf32, #tpu.memory_space<hbm>>)
    %add3A_90 = arith.constant 48 : i32
    %add3A_91 = arith.addi %mul3A_2, %add3A_90 : i32
    %dma_start3A_92 = arith.constant 0 : i32
    %dma_start3A_93 = tpu.memref_slice %arg2[%add3A_91, %dma_start3A_92] : memref<32000x1024xf32, #tpu.memory_space<hbm>> -> memref<16x1024xf32, #tpu.memory_space<hbm>>
    %dma_start3A_94 = arith.constant 0 : i32
    %dma_start3A_95 = tpu.memref_slice %arg2[%add3A_91, %dma_start3A_94] : memref<32000x1024xf32, #tpu.memory_space<hbm>> -> memref<16x1024xf32, #tpu.memory_space<hbm>>
    tpu.enqueue_dma source(%dma_start3A_95 : memref<16x1024xf32, #tpu.memory_space<hbm>>) target(%arg7 : memref<16x1024xf32, #tpu.memory_space<vmem>>) target_semaphore(%arg13 : memref<!tpu.dma_semaphore, #tpu.memory_space<semaphore_mem>>)
    %dma_wait3A_96 = arith.constant 0 : i32
    %dma_wait3A_97 = arith.constant 0 : i32
    %dma_wait3A_98 = tpu.memref_slice %arg2[%dma_wait3A_96, %dma_wait3A_97] : memref<32000x1024xf32, #tpu.memory_space<hbm>> -> memref<16x1024xf32, #tpu.memory_space<hbm>>
    %dma_wait3A_99 = arith.constant 0 : i32
    %dma_wait3A_100 = arith.constant 0 : i32
    %dma_wait3A_101 = tpu.memref_slice %arg2[%dma_wait3A_99, %dma_wait3A_100] : memref<32000x1024xf32, #tpu.memory_space<hbm>> -> memref<16x1024xf32, #tpu.memory_space<hbm>>
    tpu.wait_dma2 semaphore(%arg15 : memref<!tpu.dma_semaphore, #tpu.memory_space<semaphore_mem>>) src(%dma_wait3A_101 : memref<16x1024xf32, #tpu.memory_space<hbm>>) dst(%arg9 : memref<16x1024xf32, #tpu.memory_space<vmem>>)
    %dma_wait3A_102 = arith.constant 0 : i32
    %dma_wait3A_103 = tpu.memref_slice %arg6[%dma_wait3A_102] : memref<1000xi32, #tpu.memory_space<vmem>> -> memref<16xi32, #tpu.memory_space<vmem>>
    %dma_wait3A_104 = arith.constant 0 : i32
    %dma_wait3A_105 = arith.constant 0 : i32
    %dma_wait3A_106 = tpu.memref_slice %arg4[%dma_wait3A_104, %dma_wait3A_105] : memref<502x1024xf32, #tpu.memory_space<hbm>> -> memref<502x1024xf32, #tpu.memory_space<hbm>>
    tpu.wait_indirect_dma semaphore(%arg18 : memref<!tpu.dma_semaphore, #tpu.memory_space<semaphore_mem>>) src(%dma_wait3A_106 : memref<502x1024xf32, #tpu.memory_space<hbm>>) dst(%arg12 : memref<16x1024xf32, #tpu.memory_space<vmem>>)
    %dma_start3A_107 = arith.constant 64 : i32
    %dma_start3A_108 = tpu.memref_slice %arg6[%dma_start3A_107] : memref<1000xi32, #tpu.memory_space<vmem>> -> memref<16xi32, #tpu.memory_space<vmem>>
    %dma_start3A_109 = arith.constant 0 : i32
    %dma_start3A_110 = arith.constant 0 : i32
    %dma_start3A_111 = tpu.memref_slice %arg4[%dma_start3A_109, %dma_start3A_110] : memref<502x1024xf32, #tpu.memory_space<hbm>> -> memref<502x1024xf32, #tpu.memory_space<hbm>>
    tpu.enqueue_indirect_dma source(%dma_start3A_111 : memref<502x1024xf32, #tpu.memory_space<hbm>>) target(%arg11 : memref<16x1024xf32, #tpu.memory_space<vmem>>) offsets(%dma_start3A_108 : memref<16xi32, #tpu.memory_space<vmem>>) semaphore(%arg17 : memref<!tpu.dma_semaphore, #tpu.memory_space<semaphore_mem>>)
    %scan3A_112 = arith.constant 0 : i32
    %scan3A_113 = arith.constant 0 : i32
    %scan3A_114 = arith.constant 16 : i32
    %scan3A_115 = arith.addi %scan3A_113, %scan3A_114 : i32
    %scan3A_116 = arith.constant 1 : i32
    scf.for %scan3A_246 = %scan3A_113 to %scan3A_115 step %scan3A_116  : i32 {
      %parallel_loop3A = arith.constant 0 : i32
      %parallel_loop3A_247 = arith.constant 64 : i32
      %parallel_loop3A_248 = arith.constant 1 : i32
      scf.for %parallel_loop3A_249 = %parallel_loop3A to %parallel_loop3A_247 step %parallel_loop3A_248  : i32 {
        %parallel_loop3A_250 = arith.constant 16 : i32
        %parallel_loop3A_251 = arith.muli %parallel_loop3A_249, %parallel_loop3A_250 : i32
        %parallel_loop3A_252 = arith.index_cast %scan3A_246 : i32 to index
        %parallel_loop3A_253 = arith.index_cast %parallel_loop3A_251 : i32 to index
        %parallel_loop3A_254 = tpu.vector_load %arg12[%parallel_loop3A_252, %parallel_loop3A_253] {strides = array<i32>} : memref<16x1024xf32, #tpu.memory_space<vmem>>, vector<1x16xf32>,
        %parallel_loop3A_255 = vector.shape_cast %parallel_loop3A_254 : vector<1x16xf32> to vector<16xf32>
        %parallel_loop3A_256 = arith.index_cast %scan3A_246 : i32 to index
        %parallel_loop3A_257 = arith.index_cast %parallel_loop3A_251 : i32 to index
        %parallel_loop3A_258 = tpu.vector_load %arg9[%parallel_loop3A_256, %parallel_loop3A_257] {strides = array<i32>} : memref<16x1024xf32, #tpu.memory_space<vmem>>, vector<1x16xf32>,
        %parallel_loop3A_259 = vector.shape_cast %parallel_loop3A_258 : vector<1x16xf32> to vector<16xf32>
        %parallel_loop3A_260 = vector.shape_cast %parallel_loop3A_255 : vector<16xf32> to vector<1x16xf32>
        tpu.vector_store %arg9[%parallel_loop3A_256, %parallel_loop3A_257], %parallel_loop3A_260 {add = true, strides = array<i32>} : memref<16x1024xf32, #tpu.memory_space<vmem>>, vector<1x16xf32>,
      } {sc.loop_unroll_factor = 8 : i64, sc.parallel_access}
    }
    %scan3A_117 = arith.constant 16 : i32
    %add3A_118 = arith.constant 32 : i32
    %add3A_119 = arith.addi %mul3A_2, %add3A_118 : i32
    %dma_start3A_120 = arith.constant 0 : i32
    %dma_start3A_121 = tpu.memref_slice %arg5[%add3A_119, %dma_start3A_120] : memref<32000x1024xf32, #tpu.memory_space<hbm>> -> memref<16x1024xf32, #tpu.memory_space<hbm>>
    %dma_start3A_122 = arith.constant 0 : i32
    %dma_start3A_123 = tpu.memref_slice %arg5[%add3A_119, %dma_start3A_122] : memref<32000x1024xf32, #tpu.memory_space<hbm>> -> memref<16x1024xf32, #tpu.memory_space<hbm>>
    tpu.enqueue_dma source(%arg9 : memref<16x1024xf32, #tpu.memory_space<vmem>>) target(%dma_start3A_123 : memref<16x1024xf32, #tpu.memory_space<hbm>>) target_semaphore(%arg21 : memref<!tpu.dma_semaphore, #tpu.memory_space<semaphore_mem>>)
    %dma_wait3A_124 = arith.constant 0 : i32
    %dma_wait3A_125 = arith.constant 0 : i32
    %dma_wait3A_126 = tpu.memref_slice %arg5[%dma_wait3A_124, %dma_wait3A_125] : memref<32000x1024xf32, #tpu.memory_space<hbm>> -> memref<16x1024xf32, #tpu.memory_space<hbm>>
    %dma_wait3A_127 = arith.constant 0 : i32
    %dma_wait3A_128 = arith.constant 0 : i32
    %dma_wait3A_129 = tpu.memref_slice %arg5[%dma_wait3A_127, %dma_wait3A_128] : memref<32000x1024xf32, #tpu.memory_space<hbm>> -> memref<16x1024xf32, #tpu.memory_space<hbm>>
    tpu.wait_dma2 semaphore(%arg20 : memref<!tpu.dma_semaphore, #tpu.memory_space<semaphore_mem>>) src(%arg8 : memref<16x1024xf32, #tpu.memory_space<vmem>>) dst(%dma_wait3A_129 : memref<16x1024xf32, #tpu.memory_space<hbm>>)
    %add3A_130 = arith.constant 64 : i32
    %add3A_131 = arith.addi %mul3A_2, %add3A_130 : i32
    %dma_start3A_132 = arith.constant 0 : i32
    %dma_start3A_133 = tpu.memref_slice %arg2[%add3A_131, %dma_start3A_132] : memref<32000x1024xf32, #tpu.memory_space<hbm>> -> memref<16x1024xf32, #tpu.memory_space<hbm>>
    %dma_start3A_134 = arith.constant 0 : i32
    %dma_start3A_135 = tpu.memref_slice %arg2[%add3A_131, %dma_start3A_134] : memref<32000x1024xf32, #tpu.memory_space<hbm>> -> memref<16x1024xf32, #tpu.memory_space<hbm>>
    tpu.enqueue_dma source(%dma_start3A_135 : memref<16x1024xf32, #tpu.memory_space<hbm>>) target(%arg8 : memref<16x1024xf32, #tpu.memory_space<vmem>>) target_semaphore(%arg14 : memref<!tpu.dma_semaphore, #tpu.memory_space<semaphore_mem>>)
    %scan3A_136 = arith.constant 0 : i32
    %scan3A_137 = arith.constant 1 : i32
    %scan3A_138 = arith.constant 19 : i32
    %scan3A_139 = arith.addi %scan3A_137, %scan3A_138 : i32
    %scan3A_140 = arith.constant 1 : i32
    scf.for %scan3A_246 = %scan3A_137 to %scan3A_139 step %scan3A_140  : i32 {
      %mul3A_247 = arith.constant 3 : i32
      %mul3A_248 = arith.muli %mul3A_247, %scan3A_246 : i32
      %dma_wait3A_249 = arith.constant 0 : i32
      %dma_wait3A_250 = arith.constant 0 : i32
      %dma_wait3A_251 = tpu.memref_slice %arg2[%dma_wait3A_249, %dma_wait3A_250] : memref<32000x1024xf32, #tpu.memory_space<hbm>> -> memref<16x1024xf32, #tpu.memory_space<hbm>>
      %dma_wait3A_252 = arith.constant 0 : i32
      %dma_wait3A_253 = arith.constant 0 : i32
      %dma_wait3A_254 = tpu.memref_slice %arg2[%dma_wait3A_252, %dma_wait3A_253] : memref<32000x1024xf32, #tpu.memory_space<hbm>> -> memref<16x1024xf32, #tpu.memory_space<hbm>>
      tpu.wait_dma2 semaphore(%arg13 : memref<!tpu.dma_semaphore, #tpu.memory_space<semaphore_mem>>) src(%dma_wait3A_254 : memref<16x1024xf32, #tpu.memory_space<hbm>>) dst(%arg7 : memref<16x1024xf32, #tpu.memory_space<vmem>>)
      %dma_wait3A_255 = arith.constant 0 : i32
      %dma_wait3A_256 = tpu.memref_slice %arg6[%dma_wait3A_255] : memref<1000xi32, #tpu.memory_space<vmem>> -> memref<16xi32, #tpu.memory_space<vmem>>
      %dma_wait3A_257 = arith.constant 0 : i32
      %dma_wait3A_258 = arith.constant 0 : i32
      %dma_wait3A_259 = tpu.memref_slice %arg4[%dma_wait3A_257, %dma_wait3A_258] : memref<502x1024xf32, #tpu.memory_space<hbm>> -> memref<502x1024xf32, #tpu.memory_space<hbm>>
      tpu.wait_indirect_dma semaphore(%arg16 : memref<!tpu.dma_semaphore, #tpu.memory_space<semaphore_mem>>) src(%dma_wait3A_259 : memref<502x1024xf32, #tpu.memory_space<hbm>>) dst(%arg10 : memref<16x1024xf32, #tpu.memory_space<vmem>>)
      %add3A_260 = arith.constant 2 : i32
      %add3A_261 = arith.addi %mul3A_248, %add3A_260 : i32
      %mul3A_262 = arith.constant 16 : i32
      %mul3A_263 = arith.muli %add3A_261, %mul3A_262 : i32
      %min3A = arith.constant 984 : i32
      %min3A_264 = arith.minsi %mul3A_263, %min3A : i32
      %multiple_of3A_265 = tpu.assume_multiple %min3A_264, 8 : i32
      %dma_start3A_266 = tpu.memref_slice %arg6[%multiple_of3A_265] : memref<1000xi32, #tpu.memory_space<vmem>> -> memref<16xi32, #tpu.memory_space<vmem>>
      %dma_start3A_267 = arith.constant 0 : i32
      %dma_start3A_268 = arith.constant 0 : i32
      %dma_start3A_269 = tpu.memref_slice %arg4[%dma_start3A_267, %dma_start3A_268] : memref<502x1024xf32, #tpu.memory_space<hbm>> -> memref<502x1024xf32, #tpu.memory_space<hbm>>
      tpu.enqueue_indirect_dma source(%dma_start3A_269 : memref<502x1024xf32, #tpu.memory_space<hbm>>) target(%arg12 : memref<16x1024xf32, #tpu.memory_space<vmem>>) offsets(%dma_start3A_266 : memref<16xi32, #tpu.memory_space<vmem>>) semaphore(%arg18 : memref<!tpu.dma_semaphore, #tpu.memory_space<semaphore_mem>>)
      %scan3A_270 = arith.constant 0 : i32
      %scan3A_271 = arith.constant 0 : i32
      %scan3A_272 = arith.constant 16 : i32
      %scan3A_273 = arith.addi %scan3A_271, %scan3A_272 : i32
      %scan3A_274 = arith.constant 1 : i32
      scf.for %scan3A_420 = %scan3A_271 to %scan3A_273 step %scan3A_274  : i32 {
        %parallel_loop3A = arith.constant 0 : i32
        %parallel_loop3A_421 = arith.constant 64 : i32
        %parallel_loop3A_422 = arith.constant 1 : i32
        scf.for %parallel_loop3A_423 = %parallel_loop3A to %parallel_loop3A_421 step %parallel_loop3A_422  : i32 {
          %parallel_loop3A_424 = arith.constant 16 : i32
          %parallel_loop3A_425 = arith.muli %parallel_loop3A_423, %parallel_loop3A_424 : i32
          %parallel_loop3A_426 = arith.index_cast %scan3A_420 : i32 to index
          %parallel_loop3A_427 = arith.index_cast %parallel_loop3A_425 : i32 to index
          %parallel_loop3A_428 = tpu.vector_load %arg10[%parallel_loop3A_426, %parallel_loop3A_427] {strides = array<i32>} : memref<16x1024xf32, #tpu.memory_space<vmem>>, vector<1x16xf32>,
          %parallel_loop3A_429 = vector.shape_cast %parallel_loop3A_428 : vector<1x16xf32> to vector<16xf32>
          %parallel_loop3A_430 = arith.index_cast %scan3A_420 : i32 to index
          %parallel_loop3A_431 = arith.index_cast %parallel_loop3A_425 : i32 to index
          %parallel_loop3A_432 = tpu.vector_load %arg7[%parallel_loop3A_430, %parallel_loop3A_431] {strides = array<i32>} : memref<16x1024xf32, #tpu.memory_space<vmem>>, vector<1x16xf32>,
          %parallel_loop3A_433 = vector.shape_cast %parallel_loop3A_432 : vector<1x16xf32> to vector<16xf32>
          %parallel_loop3A_434 = vector.shape_cast %parallel_loop3A_429 : vector<16xf32> to vector<1x16xf32>
          tpu.vector_store %arg7[%parallel_loop3A_430, %parallel_loop3A_431], %parallel_loop3A_434 {add = true, strides = array<i32>} : memref<16x1024xf32, #tpu.memory_space<vmem>>, vector<1x16xf32>,
        } {sc.loop_unroll_factor = 8 : i64, sc.parallel_access}
      }
      %scan3A_275 = arith.constant 16 : i32
      %mul3A_276 = arith.constant 16 : i32
      %mul3A_277 = arith.muli %mul3A_248, %mul3A_276 : i32
      %min3A_278 = arith.constant 984 : i32
      %min3A_279 = arith.minsi %mul3A_277, %min3A_278 : i32
      %multiple_of3A_280 = tpu.assume_multiple %min3A_279, 8 : i32
      %add3A_281 = arith.addi %mul3A_2, %multiple_of3A_280 : i32
      %dma_start3A_282 = arith.constant 0 : i32
      %dma_start3A_283 = tpu.memref_slice %arg5[%add3A_281, %dma_start3A_282] : memref<32000x1024xf32, #tpu.memory_space<hbm>> -> memref<16x1024xf32, #tpu.memory_space<hbm>>
      %dma_start3A_284 = arith.constant 0 : i32
      %dma_start3A_285 = tpu.memref_slice %arg5[%add3A_281, %dma_start3A_284] : memref<32000x1024xf32, #tpu.memory_space<hbm>> -> memref<16x1024xf32, #tpu.memory_space<hbm>>
      tpu.enqueue_dma source(%arg7 : memref<16x1024xf32, #tpu.memory_space<vmem>>) target(%dma_start3A_285 : memref<16x1024xf32, #tpu.memory_space<hbm>>) target_semaphore(%arg19 : memref<!tpu.dma_semaphore, #tpu.memory_space<semaphore_mem>>)
      %dma_wait3A_286 = arith.constant 0 : i32
      %dma_wait3A_287 = arith.constant 0 : i32
      %dma_wait3A_288 = tpu.memref_slice %arg5[%dma_wait3A_286, %dma_wait3A_287] : memref<32000x1024xf32, #tpu.memory_space<hbm>> -> memref<16x1024xf32, #tpu.memory_space<hbm>>
      %dma_wait3A_289 = arith.constant 0 : i32
      %dma_wait3A_290 = arith.constant 0 : i32
      %dma_wait3A_291 = tpu.memref_slice %arg5[%dma_wait3A_289, %dma_wait3A_290] : memref<32000x1024xf32, #tpu.memory_space<hbm>> -> memref<16x1024xf32, #tpu.memory_space<hbm>>
      tpu.wait_dma2 semaphore(%arg21 : memref<!tpu.dma_semaphore, #tpu.memory_space<semaphore_mem>>) src(%arg9 : memref<16x1024xf32, #tpu.memory_space<vmem>>) dst(%dma_wait3A_291 : memref<16x1024xf32, #tpu.memory_space<hbm>>)
      %add3A_292 = arith.constant 2 : i32
      %add3A_293 = arith.addi %mul3A_248, %add3A_292 : i32
      %mul3A_294 = arith.constant 16 : i32
      %mul3A_295 = arith.muli %add3A_293, %mul3A_294 : i32
      %min3A_296 = arith.constant 984 : i32
      %min3A_297 = arith.minsi %mul3A_295, %min3A_296 : i32
      %multiple_of3A_298 = tpu.assume_multiple %min3A_297, 8 : i32
      %add3A_299 = arith.addi %mul3A_2, %multiple_of3A_298 : i32
      %dma_start3A_300 = arith.constant 0 : i32
      %dma_start3A_301 = tpu.memref_slice %arg2[%add3A_299, %dma_start3A_300] : memref<32000x1024xf32, #tpu.memory_space<hbm>> -> memref<16x1024xf32, #tpu.memory_space<hbm>>
      %dma_start3A_302 = arith.constant 0 : i32
      %dma_start3A_303 = tpu.memref_slice %arg2[%add3A_299, %dma_start3A_302] : memref<32000x1024xf32, #tpu.memory_space<hbm>> -> memref<16x1024xf32, #tpu.memory_space<hbm>>
      tpu.enqueue_dma source(%dma_start3A_303 : memref<16x1024xf32, #tpu.memory_space<hbm>>) target(%arg9 : memref<16x1024xf32, #tpu.memory_space<vmem>>) target_semaphore(%arg15 : memref<!tpu.dma_semaphore, #tpu.memory_space<semaphore_mem>>)
      %add3A_304 = arith.constant 1 : i32
      %add3A_305 = arith.addi %mul3A_248, %add3A_304 : i32
      %dma_wait3A_306 = arith.constant 0 : i32
      %dma_wait3A_307 = arith.constant 0 : i32
      %dma_wait3A_308 = tpu.memref_slice %arg2[%dma_wait3A_306, %dma_wait3A_307] : memref<32000x1024xf32, #tpu.memory_space<hbm>> -> memref<16x1024xf32, #tpu.memory_space<hbm>>
      %dma_wait3A_309 = arith.constant 0 : i32
      %dma_wait3A_310 = arith.constant 0 : i32
      %dma_wait3A_311 = tpu.memref_slice %arg2[%dma_wait3A_309, %dma_wait3A_310] : memref<32000x1024xf32, #tpu.memory_space<hbm>> -> memref<16x1024xf32, #tpu.memory_space<hbm>>
      tpu.wait_dma2 semaphore(%arg14 : memref<!tpu.dma_semaphore, #tpu.memory_space<semaphore_mem>>) src(%dma_wait3A_311 : memref<16x1024xf32, #tpu.memory_space<hbm>>) dst(%arg8 : memref<16x1024xf32, #tpu.memory_space<vmem>>)
      %dma_wait3A_312 = arith.constant 0 : i32
      %dma_wait3A_313 = tpu.memref_slice %arg6[%dma_wait3A_312] : memref<1000xi32, #tpu.memory_space<vmem>> -> memref<16xi32, #tpu.memory_space<vmem>>
      %dma_wait3A_314 = arith.constant 0 : i32
      %dma_wait3A_315 = arith.constant 0 : i32
      %dma_wait3A_316 = tpu.memref_slice %arg4[%dma_wait3A_314, %dma_wait3A_315] : memref<502x1024xf32, #tpu.memory_space<hbm>> -> memref<502x1024xf32, #tpu.memory_space<hbm>>
      tpu.wait_indirect_dma semaphore(%arg17 : memref<!tpu.dma_semaphore, #tpu.memory_space<semaphore_mem>>) src(%dma_wait3A_316 : memref<502x1024xf32, #tpu.memory_space<hbm>>) dst(%arg11 : memref<16x1024xf32, #tpu.memory_space<vmem>>)
      %add3A_317 = arith.constant 2 : i32
      %add3A_318 = arith.addi %add3A_305, %add3A_317 : i32
      %mul3A_319 = arith.constant 16 : i32
      %mul3A_320 = arith.muli %add3A_318, %mul3A_319 : i32
      %min3A_321 = arith.constant 984 : i32
      %min3A_322 = arith.minsi %mul3A_320, %min3A_321 : i32
      %multiple_of3A_323 = tpu.assume_multiple %min3A_322, 8 : i32
      %dma_start3A_324 = tpu.memref_slice %arg6[%multiple_of3A_323] : memref<1000xi32, #tpu.memory_space<vmem>> -> memref<16xi32, #tpu.memory_space<vmem>>
      %dma_start3A_325 = arith.constant 0 : i32
      %dma_start3A_326 = arith.constant 0 : i32
      %dma_start3A_327 = tpu.memref_slice %arg4[%dma_start3A_325, %dma_start3A_326] : memref<502x1024xf32, #tpu.memory_space<hbm>> -> memref<502x1024xf32, #tpu.memory_space<hbm>>
      tpu.enqueue_indirect_dma source(%dma_start3A_327 : memref<502x1024xf32, #tpu.memory_space<hbm>>) target(%arg10 : memref<16x1024xf32, #tpu.memory_space<vmem>>) offsets(%dma_start3A_324 : memref<16xi32, #tpu.memory_space<vmem>>) semaphore(%arg16 : memref<!tpu.dma_semaphore, #tpu.memory_space<semaphore_mem>>)
      %scan3A_328 = arith.constant 0 : i32
      %scan3A_329 = arith.constant 0 : i32
      %scan3A_330 = arith.constant 16 : i32
      %scan3A_331 = arith.addi %scan3A_329, %scan3A_330 : i32
      %scan3A_332 = arith.constant 1 : i32
      scf.for %scan3A_420 = %scan3A_329 to %scan3A_331 step %scan3A_332  : i32 {
        %parallel_loop3A = arith.constant 0 : i32
        %parallel_loop3A_421 = arith.constant 64 : i32
        %parallel_loop3A_422 = arith.constant 1 : i32
        scf.for %parallel_loop3A_423 = %parallel_loop3A to %parallel_loop3A_421 step %parallel_loop3A_422  : i32 {
          %parallel_loop3A_424 = arith.constant 16 : i32
          %parallel_loop3A_425 = arith.muli %parallel_loop3A_423, %parallel_loop3A_424 : i32
          %parallel_loop3A_426 = arith.index_cast %scan3A_420 : i32 to index
          %parallel_loop3A_427 = arith.index_cast %parallel_loop3A_425 : i32 to index
          %parallel_loop3A_428 = tpu.vector_load %arg11[%parallel_loop3A_426, %parallel_loop3A_427] {strides = array<i32>} : memref<16x1024xf32, #tpu.memory_space<vmem>>, vector<1x16xf32>,
          %parallel_loop3A_429 = vector.shape_cast %parallel_loop3A_428 : vector<1x16xf32> to vector<16xf32>
          %parallel_loop3A_430 = arith.index_cast %scan3A_420 : i32 to index
          %parallel_loop3A_431 = arith.index_cast %parallel_loop3A_425 : i32 to index
          %parallel_loop3A_432 = tpu.vector_load %arg8[%parallel_loop3A_430, %parallel_loop3A_431] {strides = array<i32>} : memref<16x1024xf32, #tpu.memory_space<vmem>>, vector<1x16xf32>,
          %parallel_loop3A_433 = vector.shape_cast %parallel_loop3A_432 : vector<1x16xf32> to vector<16xf32>
          %parallel_loop3A_434 = vector.shape_cast %parallel_loop3A_429 : vector<16xf32> to vector<1x16xf32>
          tpu.vector_store %arg8[%parallel_loop3A_430, %parallel_loop3A_431], %parallel_loop3A_434 {add = true, strides = array<i32>} : memref<16x1024xf32, #tpu.memory_space<vmem>>, vector<1x16xf32>,
        } {sc.loop_unroll_factor = 8 : i64, sc.parallel_access}
      }
      %scan3A_333 = arith.constant 16 : i32
      %mul3A_334 = arith.constant 16 : i32
      %mul3A_335 = arith.muli %add3A_305, %mul3A_334 : i32
      %min3A_336 = arith.constant 984 : i32
      %min3A_337 = arith.minsi %mul3A_335, %min3A_336 : i32
      %multiple_of3A_338 = tpu.assume_multiple %min3A_337, 8 : i32
      %add3A_339 = arith.addi %mul3A_2, %multiple_of3A_338 : i32
      %dma_start3A_340 = arith.constant 0 : i32
      %dma_start3A_341 = tpu.memref_slice %arg5[%add3A_339, %dma_start3A_340] : memref<32000x1024xf32, #tpu.memory_space<hbm>> -> memref<16x1024xf32, #tpu.memory_space<hbm>>
      %dma_start3A_342 = arith.constant 0 : i32
      %dma_start3A_343 = tpu.memref_slice %arg5[%add3A_339, %dma_start3A_342] : memref<32000x1024xf32, #tpu.memory_space<hbm>> -> memref<16x1024xf32, #tpu.memory_space<hbm>>
      tpu.enqueue_dma source(%arg8 : memref<16x1024xf32, #tpu.memory_space<vmem>>) target(%dma_start3A_343 : memref<16x1024xf32, #tpu.memory_space<hbm>>) target_semaphore(%arg20 : memref<!tpu.dma_semaphore, #tpu.memory_space<semaphore_mem>>)
      %dma_wait3A_344 = arith.constant 0 : i32
      %dma_wait3A_345 = arith.constant 0 : i32
      %dma_wait3A_346 = tpu.memref_slice %arg5[%dma_wait3A_344, %dma_wait3A_345] : memref<32000x1024xf32, #tpu.memory_space<hbm>> -> memref<16x1024xf32, #tpu.memory_space<hbm>>
      %dma_wait3A_347 = arith.constant 0 : i32
      %dma_wait3A_348 = arith.constant 0 : i32
      %dma_wait3A_349 = tpu.memref_slice %arg5[%dma_wait3A_347, %dma_wait3A_348] : memref<32000x1024xf32, #tpu.memory_space<hbm>> -> memref<16x1024xf32, #tpu.memory_space<hbm>>
      tpu.wait_dma2 semaphore(%arg19 : memref<!tpu.dma_semaphore, #tpu.memory_space<semaphore_mem>>) src(%arg7 : memref<16x1024xf32, #tpu.memory_space<vmem>>) dst(%dma_wait3A_349 : memref<16x1024xf32, #tpu.memory_space<hbm>>)
      %add3A_350 = arith.constant 2 : i32
      %add3A_351 = arith.addi %add3A_305, %add3A_350 : i32
      %mul3A_352 = arith.constant 16 : i32
      %mul3A_353 = arith.muli %add3A_351, %mul3A_352 : i32
      %min3A_354 = arith.constant 984 : i32
      %min3A_355 = arith.minsi %mul3A_353, %min3A_354 : i32
      %multiple_of3A_356 = tpu.assume_multiple %min3A_355, 8 : i32
      %add3A_357 = arith.addi %mul3A_2, %multiple_of3A_356 : i32
      %dma_start3A_358 = arith.constant 0 : i32
      %dma_start3A_359 = tpu.memref_slice %arg2[%add3A_357, %dma_start3A_358] : memref<32000x1024xf32, #tpu.memory_space<hbm>> -> memref<16x1024xf32, #tpu.memory_space<hbm>>
      %dma_start3A_360 = arith.constant 0 : i32
      %dma_start3A_361 = tpu.memref_slice %arg2[%add3A_357, %dma_start3A_360] : memref<32000x1024xf32, #tpu.memory_space<hbm>> -> memref<16x1024xf32, #tpu.memory_space<hbm>>
      tpu.enqueue_dma source(%dma_start3A_361 : memref<16x1024xf32, #tpu.memory_space<hbm>>) target(%arg7 : memref<16x1024xf32, #tpu.memory_space<vmem>>) target_semaphore(%arg13 : memref<!tpu.dma_semaphore, #tpu.memory_space<semaphore_mem>>)
      %add3A_362 = arith.constant 2 : i32
      %add3A_363 = arith.addi %mul3A_248, %add3A_362 : i32
      %dma_wait3A_364 = arith.constant 0 : i32
      %dma_wait3A_365 = arith.constant 0 : i32
      %dma_wait3A_366 = tpu.memref_slice %arg2[%dma_wait3A_364, %dma_wait3A_365] : memref<32000x1024xf32, #tpu.memory_space<hbm>> -> memref<16x1024xf32, #tpu.memory_space<hbm>>
      %dma_wait3A_367 = arith.constant 0 : i32
      %dma_wait3A_368 = arith.constant 0 : i32
      %dma_wait3A_369 = tpu.memref_slice %arg2[%dma_wait3A_367, %dma_wait3A_368] : memref<32000x1024xf32, #tpu.memory_space<hbm>> -> memref<16x1024xf32, #tpu.memory_space<hbm>>
      tpu.wait_dma2 semaphore(%arg15 : memref<!tpu.dma_semaphore, #tpu.memory_space<semaphore_mem>>) src(%dma_wait3A_369 : memref<16x1024xf32, #tpu.memory_space<hbm>>) dst(%arg9 : memref<16x1024xf32, #tpu.memory_space<vmem>>)
      %dma_wait3A_370 = arith.constant 0 : i32
      %dma_wait3A_371 = tpu.memref_slice %arg6[%dma_wait3A_370] : memref<1000xi32, #tpu.memory_space<vmem>> -> memref<16xi32, #tpu.memory_space<vmem>>
      %dma_wait3A_372 = arith.constant 0 : i32
      %dma_wait3A_373 = arith.constant 0 : i32
      %dma_wait3A_374 = tpu.memref_slice %arg4[%dma_wait3A_372, %dma_wait3A_373] : memref<502x1024xf32, #tpu.memory_space<hbm>> -> memref<502x1024xf32, #tpu.memory_space<hbm>>
      tpu.wait_indirect_dma semaphore(%arg18 : memref<!tpu.dma_semaphore, #tpu.memory_space<semaphore_mem>>) src(%dma_wait3A_374 : memref<502x1024xf32, #tpu.memory_space<hbm>>) dst(%arg12 : memref<16x1024xf32, #tpu.memory_space<vmem>>)
      %add3A_375 = arith.constant 2 : i32
      %add3A_376 = arith.addi %add3A_363, %add3A_375 : i32
      %mul3A_377 = arith.constant 16 : i32
      %mul3A_378 = arith.muli %add3A_376, %mul3A_377 : i32
      %min3A_379 = arith.constant 984 : i32
      %min3A_380 = arith.minsi %mul3A_378, %min3A_379 : i32
      %multiple_of3A_381 = tpu.assume_multiple %min3A_380, 8 : i32
      %dma_start3A_382 = tpu.memref_slice %arg6[%multiple_of3A_381] : memref<1000xi32, #tpu.memory_space<vmem>> -> memref<16xi32, #tpu.memory_space<vmem>>
      %dma_start3A_383 = arith.constant 0 : i32
      %dma_start3A_384 = arith.constant 0 : i32
      %dma_start3A_385 = tpu.memref_slice %arg4[%dma_start3A_383, %dma_start3A_384] : memref<502x1024xf32, #tpu.memory_space<hbm>> -> memref<502x1024xf32, #tpu.memory_space<hbm>>
      tpu.enqueue_indirect_dma source(%dma_start3A_385 : memref<502x1024xf32, #tpu.memory_space<hbm>>) target(%arg11 : memref<16x1024xf32, #tpu.memory_space<vmem>>) offsets(%dma_start3A_382 : memref<16xi32, #tpu.memory_space<vmem>>) semaphore(%arg17 : memref<!tpu.dma_semaphore, #tpu.memory_space<semaphore_mem>>)
      %scan3A_386 = arith.constant 0 : i32
      %scan3A_387 = arith.constant 0 : i32
      %scan3A_388 = arith.constant 16 : i32
      %scan3A_389 = arith.addi %scan3A_387, %scan3A_388 : i32
      %scan3A_390 = arith.constant 1 : i32
      scf.for %scan3A_420 = %scan3A_387 to %scan3A_389 step %scan3A_390  : i32 {
        %parallel_loop3A = arith.constant 0 : i32
        %parallel_loop3A_421 = arith.constant 64 : i32
        %parallel_loop3A_422 = arith.constant 1 : i32
        scf.for %parallel_loop3A_423 = %parallel_loop3A to %parallel_loop3A_421 step %parallel_loop3A_422  : i32 {
          %parallel_loop3A_424 = arith.constant 16 : i32
          %parallel_loop3A_425 = arith.muli %parallel_loop3A_423, %parallel_loop3A_424 : i32
          %parallel_loop3A_426 = arith.index_cast %scan3A_420 : i32 to index
          %parallel_loop3A_427 = arith.index_cast %parallel_loop3A_425 : i32 to index
          %parallel_loop3A_428 = tpu.vector_load %arg12[%parallel_loop3A_426, %parallel_loop3A_427] {strides = array<i32>} : memref<16x1024xf32, #tpu.memory_space<vmem>>, vector<1x16xf32>,
          %parallel_loop3A_429 = vector.shape_cast %parallel_loop3A_428 : vector<1x16xf32> to vector<16xf32>
          %parallel_loop3A_430 = arith.index_cast %scan3A_420 : i32 to index
          %parallel_loop3A_431 = arith.index_cast %parallel_loop3A_425 : i32 to index
          %parallel_loop3A_432 = tpu.vector_load %arg9[%parallel_loop3A_430, %parallel_loop3A_431] {strides = array<i32>} : memref<16x1024xf32, #tpu.memory_space<vmem>>, vector<1x16xf32>,
          %parallel_loop3A_433 = vector.shape_cast %parallel_loop3A_432 : vector<1x16xf32> to vector<16xf32>
          %parallel_loop3A_434 = vector.shape_cast %parallel_loop3A_429 : vector<16xf32> to vector<1x16xf32>
          tpu.vector_store %arg9[%parallel_loop3A_430, %parallel_loop3A_431], %parallel_loop3A_434 {add = true, strides = array<i32>} : memref<16x1024xf32, #tpu.memory_space<vmem>>, vector<1x16xf32>,
        } {sc.loop_unroll_factor = 8 : i64, sc.parallel_access}
      }
      %scan3A_391 = arith.constant 16 : i32
      %mul3A_392 = arith.constant 16 : i32
      %mul3A_393 = arith.muli %add3A_363, %mul3A_392 : i32
      %min3A_394 = arith.constant 984 : i32
      %min3A_395 = arith.minsi %mul3A_393, %min3A_394 : i32
      %multiple_of3A_396 = tpu.assume_multiple %min3A_395, 8 : i32
      %add3A_397 = arith.addi %mul3A_2, %multiple_of3A_396 : i32
      %dma_start3A_398 = arith.constant 0 : i32
      %dma_start3A_399 = tpu.memref_slice %arg5[%add3A_397, %dma_start3A_398] : memref<32000x1024xf32, #tpu.memory_space<hbm>> -> memref<16x1024xf32, #tpu.memory_space<hbm>>
      %dma_start3A_400 = arith.constant 0 : i32
      %dma_start3A_401 = tpu.memref_slice %arg5[%add3A_397, %dma_start3A_400] : memref<32000x1024xf32, #tpu.memory_space<hbm>> -> memref<16x1024xf32, #tpu.memory_space<hbm>>
      tpu.enqueue_dma source(%arg9 : memref<16x1024xf32, #tpu.memory_space<vmem>>) target(%dma_start3A_401 : memref<16x1024xf32, #tpu.memory_space<hbm>>) target_semaphore(%arg21 : memref<!tpu.dma_semaphore, #tpu.memory_space<semaphore_mem>>)
      %dma_wait3A_402 = arith.constant 0 : i32
      %dma_wait3A_403 = arith.constant 0 : i32
      %dma_wait3A_404 = tpu.memref_slice %arg5[%dma_wait3A_402, %dma_wait3A_403] : memref<32000x1024xf32, #tpu.memory_space<hbm>> -> memref<16x1024xf32, #tpu.memory_space<hbm>>
      %dma_wait3A_405 = arith.constant 0 : i32
      %dma_wait3A_406 = arith.constant 0 : i32
      %dma_wait3A_407 = tpu.memref_slice %arg5[%dma_wait3A_405, %dma_wait3A_406] : memref<32000x1024xf32, #tpu.memory_space<hbm>> -> memref<16x1024xf32, #tpu.memory_space<hbm>>
      tpu.wait_dma2 semaphore(%arg20 : memref<!tpu.dma_semaphore, #tpu.memory_space<semaphore_mem>>) src(%arg8 : memref<16x1024xf32, #tpu.memory_space<vmem>>) dst(%dma_wait3A_407 : memref<16x1024xf32, #tpu.memory_space<hbm>>)
      %add3A_408 = arith.constant 2 : i32
      %add3A_409 = arith.addi %add3A_363, %add3A_408 : i32
      %mul3A_410 = arith.constant 16 : i32
      %mul3A_411 = arith.muli %add3A_409, %mul3A_410 : i32
      %min3A_412 = arith.constant 984 : i32
      %min3A_413 = arith.minsi %mul3A_411, %min3A_412 : i32
      %multiple_of3A_414 = tpu.assume_multiple %min3A_413, 8 : i32
      %add3A_415 = arith.addi %mul3A_2, %multiple_of3A_414 : i32
      %dma_start3A_416 = arith.constant 0 : i32
      %dma_start3A_417 = tpu.memref_slice %arg2[%add3A_415, %dma_start3A_416] : memref<32000x1024xf32, #tpu.memory_space<hbm>> -> memref<16x1024xf32, #tpu.memory_space<hbm>>
      %dma_start3A_418 = arith.constant 0 : i32
      %dma_start3A_419 = tpu.memref_slice %arg2[%add3A_415, %dma_start3A_418] : memref<32000x1024xf32, #tpu.memory_space<hbm>> -> memref<16x1024xf32, #tpu.memory_space<hbm>>
      tpu.enqueue_dma source(%dma_start3A_419 : memref<16x1024xf32, #tpu.memory_space<hbm>>) target(%arg8 : memref<16x1024xf32, #tpu.memory_space<vmem>>) target_semaphore(%arg14 : memref<!tpu.dma_semaphore, #tpu.memory_space<semaphore_mem>>)
    }
    %scan3A_141 = arith.constant 19 : i32
    %dma_wait3A_142 = arith.constant 0 : i32
    %dma_wait3A_143 = arith.constant 0 : i32
    %dma_wait3A_144 = tpu.memref_slice %arg2[%dma_wait3A_142, %dma_wait3A_143] : memref<32000x1024xf32, #tpu.memory_space<hbm>> -> memref<16x1024xf32, #tpu.memory_space<hbm>>
    %dma_wait3A_145 = arith.constant 0 : i32
    %dma_wait3A_146 = arith.constant 0 : i32
    %dma_wait3A_147 = tpu.memref_slice %arg2[%dma_wait3A_145, %dma_wait3A_146] : memref<32000x1024xf32, #tpu.memory_space<hbm>> -> memref<16x1024xf32, #tpu.memory_space<hbm>>
    tpu.wait_dma2 semaphore(%arg13 : memref<!tpu.dma_semaphore, #tpu.memory_space<semaphore_mem>>) src(%dma_wait3A_147 : memref<16x1024xf32, #tpu.memory_space<hbm>>) dst(%arg7 : memref<16x1024xf32, #tpu.memory_space<vmem>>)
    %dma_wait3A_148 = arith.constant 0 : i32
    %dma_wait3A_149 = tpu.memref_slice %arg6[%dma_wait3A_148] : memref<1000xi32, #tpu.memory_space<vmem>> -> memref<16xi32, #tpu.memory_space<vmem>>
    %dma_wait3A_150 = arith.constant 0 : i32
    %dma_wait3A_151 = arith.constant 0 : i32
    %dma_wait3A_152 = tpu.memref_slice %arg4[%dma_wait3A_150, %dma_wait3A_151] : memref<502x1024xf32, #tpu.memory_space<hbm>> -> memref<502x1024xf32, #tpu.memory_space<hbm>>
    tpu.wait_indirect_dma semaphore(%arg16 : memref<!tpu.dma_semaphore, #tpu.memory_space<semaphore_mem>>) src(%dma_wait3A_152 : memref<502x1024xf32, #tpu.memory_space<hbm>>) dst(%arg10 : memref<16x1024xf32, #tpu.memory_space<vmem>>)
    %dma_start3A_153 = arith.constant 984 : i32
    %dma_start3A_154 = tpu.memref_slice %arg6[%dma_start3A_153] : memref<1000xi32, #tpu.memory_space<vmem>> -> memref<16xi32, #tpu.memory_space<vmem>>
    %dma_start3A_155 = arith.constant 0 : i32
    %dma_start3A_156 = arith.constant 0 : i32
    %dma_start3A_157 = tpu.memref_slice %arg4[%dma_start3A_155, %dma_start3A_156] : memref<502x1024xf32, #tpu.memory_space<hbm>> -> memref<502x1024xf32, #tpu.memory_space<hbm>>
    tpu.enqueue_indirect_dma source(%dma_start3A_157 : memref<502x1024xf32, #tpu.memory_space<hbm>>) target(%arg12 : memref<16x1024xf32, #tpu.memory_space<vmem>>) offsets(%dma_start3A_154 : memref<16xi32, #tpu.memory_space<vmem>>) semaphore(%arg18 : memref<!tpu.dma_semaphore, #tpu.memory_space<semaphore_mem>>)
    %scan3A_158 = arith.constant 0 : i32
    %scan3A_159 = arith.constant 0 : i32
    %scan3A_160 = arith.constant 16 : i32
    %scan3A_161 = arith.addi %scan3A_159, %scan3A_160 : i32
    %scan3A_162 = arith.constant 1 : i32
    scf.for %scan3A_246 = %scan3A_159 to %scan3A_161 step %scan3A_162  : i32 {
      %parallel_loop3A = arith.constant 0 : i32
      %parallel_loop3A_247 = arith.constant 64 : i32
      %parallel_loop3A_248 = arith.constant 1 : i32
      scf.for %parallel_loop3A_249 = %parallel_loop3A to %parallel_loop3A_247 step %parallel_loop3A_248  : i32 {
        %parallel_loop3A_250 = arith.constant 16 : i32
        %parallel_loop3A_251 = arith.muli %parallel_loop3A_249, %parallel_loop3A_250 : i32
        %parallel_loop3A_252 = arith.index_cast %scan3A_246 : i32 to index
        %parallel_loop3A_253 = arith.index_cast %parallel_loop3A_251 : i32 to index
        %parallel_loop3A_254 = tpu.vector_load %arg10[%parallel_loop3A_252, %parallel_loop3A_253] {strides = array<i32>} : memref<16x1024xf32, #tpu.memory_space<vmem>>, vector<1x16xf32>,
        %parallel_loop3A_255 = vector.shape_cast %parallel_loop3A_254 : vector<1x16xf32> to vector<16xf32>
        %parallel_loop3A_256 = arith.index_cast %scan3A_246 : i32 to index
        %parallel_loop3A_257 = arith.index_cast %parallel_loop3A_251 : i32 to index
        %parallel_loop3A_258 = tpu.vector_load %arg7[%parallel_loop3A_256, %parallel_loop3A_257] {strides = array<i32>} : memref<16x1024xf32, #tpu.memory_space<vmem>>, vector<1x16xf32>,
        %parallel_loop3A_259 = vector.shape_cast %parallel_loop3A_258 : vector<1x16xf32> to vector<16xf32>
        %parallel_loop3A_260 = vector.shape_cast %parallel_loop3A_255 : vector<16xf32> to vector<1x16xf32>
        tpu.vector_store %arg7[%parallel_loop3A_256, %parallel_loop3A_257], %parallel_loop3A_260 {add = true, strides = array<i32>} : memref<16x1024xf32, #tpu.memory_space<vmem>>, vector<1x16xf32>,
      } {sc.loop_unroll_factor = 8 : i64, sc.parallel_access}
    }
    %scan3A_163 = arith.constant 16 : i32
    %add3A_164 = arith.constant 960 : i32
    %add3A_165 = arith.addi %mul3A_2, %add3A_164 : i32
    %dma_start3A_166 = arith.constant 0 : i32
    %dma_start3A_167 = tpu.memref_slice %arg5[%add3A_165, %dma_start3A_166] : memref<32000x1024xf32, #tpu.memory_space<hbm>> -> memref<16x1024xf32, #tpu.memory_space<hbm>>
    %dma_start3A_168 = arith.constant 0 : i32
    %dma_start3A_169 = tpu.memref_slice %arg5[%add3A_165, %dma_start3A_168] : memref<32000x1024xf32, #tpu.memory_space<hbm>> -> memref<16x1024xf32, #tpu.memory_space<hbm>>
    tpu.enqueue_dma source(%arg7 : memref<16x1024xf32, #tpu.memory_space<vmem>>) target(%dma_start3A_169 : memref<16x1024xf32, #tpu.memory_space<hbm>>) target_semaphore(%arg19 : memref<!tpu.dma_semaphore, #tpu.memory_space<semaphore_mem>>)
    %dma_wait3A_170 = arith.constant 0 : i32
    %dma_wait3A_171 = arith.constant 0 : i32
    %dma_wait3A_172 = tpu.memref_slice %arg5[%dma_wait3A_170, %dma_wait3A_171] : memref<32000x1024xf32, #tpu.memory_space<hbm>> -> memref<16x1024xf32, #tpu.memory_space<hbm>>
    %dma_wait3A_173 = arith.constant 0 : i32
    %dma_wait3A_174 = arith.constant 0 : i32
    %dma_wait3A_175 = tpu.memref_slice %arg5[%dma_wait3A_173, %dma_wait3A_174] : memref<32000x1024xf32, #tpu.memory_space<hbm>> -> memref<16x1024xf32, #tpu.memory_space<hbm>>
    tpu.wait_dma2 semaphore(%arg21 : memref<!tpu.dma_semaphore, #tpu.memory_space<semaphore_mem>>) src(%arg9 : memref<16x1024xf32, #tpu.memory_space<vmem>>) dst(%dma_wait3A_175 : memref<16x1024xf32, #tpu.memory_space<hbm>>)
    %add3A_176 = arith.constant 984 : i32
    %add3A_177 = arith.addi %mul3A_2, %add3A_176 : i32
    %dma_start3A_178 = arith.constant 0 : i32
    %dma_start3A_179 = tpu.memref_slice %arg2[%add3A_177, %dma_start3A_178] : memref<32000x1024xf32, #tpu.memory_space<hbm>> -> memref<16x1024xf32, #tpu.memory_space<hbm>>
    %dma_start3A_180 = arith.constant 0 : i32
    %dma_start3A_181 = tpu.memref_slice %arg2[%add3A_177, %dma_start3A_180] : memref<32000x1024xf32, #tpu.memory_space<hbm>> -> memref<16x1024xf32, #tpu.memory_space<hbm>>
    tpu.enqueue_dma source(%dma_start3A_181 : memref<16x1024xf32, #tpu.memory_space<hbm>>) target(%arg9 : memref<16x1024xf32, #tpu.memory_space<vmem>>) target_semaphore(%arg15 : memref<!tpu.dma_semaphore, #tpu.memory_space<semaphore_mem>>)
    %dma_wait3A_182 = arith.constant 0 : i32
    %dma_wait3A_183 = arith.constant 0 : i32
    %dma_wait3A_184 = tpu.memref_slice %arg2[%dma_wait3A_182, %dma_wait3A_183] : memref<32000x1024xf32, #tpu.memory_space<hbm>> -> memref<16x1024xf32, #tpu.memory_space<hbm>>
    %dma_wait3A_185 = arith.constant 0 : i32
    %dma_wait3A_186 = arith.constant 0 : i32
    %dma_wait3A_187 = tpu.memref_slice %arg2[%dma_wait3A_185, %dma_wait3A_186] : memref<32000x1024xf32, #tpu.memory_space<hbm>> -> memref<16x1024xf32, #tpu.memory_space<hbm>>
    tpu.wait_dma2 semaphore(%arg14 : memref<!tpu.dma_semaphore, #tpu.memory_space<semaphore_mem>>) src(%dma_wait3A_187 : memref<16x1024xf32, #tpu.memory_space<hbm>>) dst(%arg8 : memref<16x1024xf32, #tpu.memory_space<vmem>>)
    %dma_wait3A_188 = arith.constant 0 : i32
    %dma_wait3A_189 = tpu.memref_slice %arg6[%dma_wait3A_188] : memref<1000xi32, #tpu.memory_space<vmem>> -> memref<16xi32, #tpu.memory_space<vmem>>
    %dma_wait3A_190 = arith.constant 0 : i32
    %dma_wait3A_191 = arith.constant 0 : i32
    %dma_wait3A_192 = tpu.memref_slice %arg4[%dma_wait3A_190, %dma_wait3A_191] : memref<502x1024xf32, #tpu.memory_space<hbm>> -> memref<502x1024xf32, #tpu.memory_space<hbm>>
    tpu.wait_indirect_dma semaphore(%arg17 : memref<!tpu.dma_semaphore, #tpu.memory_space<semaphore_mem>>) src(%dma_wait3A_192 : memref<502x1024xf32, #tpu.memory_space<hbm>>) dst(%arg11 : memref<16x1024xf32, #tpu.memory_space<vmem>>)
    %scan3A_193 = arith.constant 0 : i32
    %scan3A_194 = arith.constant 0 : i32
    %scan3A_195 = arith.constant 16 : i32
    %scan3A_196 = arith.addi %scan3A_194, %scan3A_195 : i32
    %scan3A_197 = arith.constant 1 : i32
    scf.for %scan3A_246 = %scan3A_194 to %scan3A_196 step %scan3A_197  : i32 {
      %parallel_loop3A = arith.constant 0 : i32
      %parallel_loop3A_247 = arith.constant 64 : i32
      %parallel_loop3A_248 = arith.constant 1 : i32
      scf.for %parallel_loop3A_249 = %parallel_loop3A to %parallel_loop3A_247 step %parallel_loop3A_248  : i32 {
        %parallel_loop3A_250 = arith.constant 16 : i32
        %parallel_loop3A_251 = arith.muli %parallel_loop3A_249, %parallel_loop3A_250 : i32
        %parallel_loop3A_252 = arith.index_cast %scan3A_246 : i32 to index
        %parallel_loop3A_253 = arith.index_cast %parallel_loop3A_251 : i32 to index
        %parallel_loop3A_254 = tpu.vector_load %arg11[%parallel_loop3A_252, %parallel_loop3A_253] {strides = array<i32>} : memref<16x1024xf32, #tpu.memory_space<vmem>>, vector<1x16xf32>,
        %parallel_loop3A_255 = vector.shape_cast %parallel_loop3A_254 : vector<1x16xf32> to vector<16xf32>
        %parallel_loop3A_256 = arith.index_cast %scan3A_246 : i32 to index
        %parallel_loop3A_257 = arith.index_cast %parallel_loop3A_251 : i32 to index
        %parallel_loop3A_258 = tpu.vector_load %arg8[%parallel_loop3A_256, %parallel_loop3A_257] {strides = array<i32>} : memref<16x1024xf32, #tpu.memory_space<vmem>>, vector<1x16xf32>,
        %parallel_loop3A_259 = vector.shape_cast %parallel_loop3A_258 : vector<1x16xf32> to vector<16xf32>
        %parallel_loop3A_260 = vector.shape_cast %parallel_loop3A_255 : vector<16xf32> to vector<1x16xf32>
        tpu.vector_store %arg8[%parallel_loop3A_256, %parallel_loop3A_257], %parallel_loop3A_260 {add = true, strides = array<i32>} : memref<16x1024xf32, #tpu.memory_space<vmem>>, vector<1x16xf32>,
      } {sc.loop_unroll_factor = 8 : i64, sc.parallel_access}
    }
    %scan3A_198 = arith.constant 16 : i32
    %add3A_199 = arith.constant 976 : i32
    %add3A_200 = arith.addi %mul3A_2, %add3A_199 : i32
    %dma_start3A_201 = arith.constant 0 : i32
    %dma_start3A_202 = tpu.memref_slice %arg5[%add3A_200, %dma_start3A_201] : memref<32000x1024xf32, #tpu.memory_space<hbm>> -> memref<16x1024xf32, #tpu.memory_space<hbm>>
    %dma_start3A_203 = arith.constant 0 : i32
    %dma_start3A_204 = tpu.memref_slice %arg5[%add3A_200, %dma_start3A_203] : memref<32000x1024xf32, #tpu.memory_space<hbm>> -> memref<16x1024xf32, #tpu.memory_space<hbm>>
    tpu.enqueue_dma source(%arg8 : memref<16x1024xf32, #tpu.memory_space<vmem>>) target(%dma_start3A_204 : memref<16x1024xf32, #tpu.memory_space<hbm>>) target_semaphore(%arg20 : memref<!tpu.dma_semaphore, #tpu.memory_space<semaphore_mem>>)
    %dma_wait3A_205 = arith.constant 0 : i32
    %dma_wait3A_206 = arith.constant 0 : i32
    %dma_wait3A_207 = tpu.memref_slice %arg2[%dma_wait3A_205, %dma_wait3A_206] : memref<32000x1024xf32, #tpu.memory_space<hbm>> -> memref<16x1024xf32, #tpu.memory_space<hbm>>
    %dma_wait3A_208 = arith.constant 0 : i32
    %dma_wait3A_209 = arith.constant 0 : i32
    %dma_wait3A_210 = tpu.memref_slice %arg2[%dma_wait3A_208, %dma_wait3A_209] : memref<32000x1024xf32, #tpu.memory_space<hbm>> -> memref<16x1024xf32, #tpu.memory_space<hbm>>
    tpu.wait_dma2 semaphore(%arg15 : memref<!tpu.dma_semaphore, #tpu.memory_space<semaphore_mem>>) src(%dma_wait3A_210 : memref<16x1024xf32, #tpu.memory_space<hbm>>) dst(%arg9 : memref<16x1024xf32, #tpu.memory_space<vmem>>)
    %dma_wait3A_211 = arith.constant 0 : i32
    %dma_wait3A_212 = tpu.memref_slice %arg6[%dma_wait3A_211] : memref<1000xi32, #tpu.memory_space<vmem>> -> memref<16xi32, #tpu.memory_space<vmem>>
    %dma_wait3A_213 = arith.constant 0 : i32
    %dma_wait3A_214 = arith.constant 0 : i32
    %dma_wait3A_215 = tpu.memref_slice %arg4[%dma_wait3A_213, %dma_wait3A_214] : memref<502x1024xf32, #tpu.memory_space<hbm>> -> memref<502x1024xf32, #tpu.memory_space<hbm>>
    tpu.wait_indirect_dma semaphore(%arg18 : memref<!tpu.dma_semaphore, #tpu.memory_space<semaphore_mem>>) src(%dma_wait3A_215 : memref<502x1024xf32, #tpu.memory_space<hbm>>) dst(%arg12 : memref<16x1024xf32, #tpu.memory_space<vmem>>)
    %scan3A_216 = arith.constant 0 : i32
    %scan3A_217 = arith.constant 0 : i32
    %scan3A_218 = arith.constant 16 : i32
    %scan3A_219 = arith.addi %scan3A_217, %scan3A_218 : i32
    %scan3A_220 = arith.constant 1 : i32
    scf.for %scan3A_246 = %scan3A_217 to %scan3A_219 step %scan3A_220  : i32 {
      %parallel_loop3A = arith.constant 0 : i32
      %parallel_loop3A_247 = arith.constant 64 : i32
      %parallel_loop3A_248 = arith.constant 1 : i32
      scf.for %parallel_loop3A_249 = %parallel_loop3A to %parallel_loop3A_247 step %parallel_loop3A_248  : i32 {
        %parallel_loop3A_250 = arith.constant 16 : i32
        %parallel_loop3A_251 = arith.muli %parallel_loop3A_249, %parallel_loop3A_250 : i32
        %parallel_loop3A_252 = arith.index_cast %scan3A_246 : i32 to index
        %parallel_loop3A_253 = arith.index_cast %parallel_loop3A_251 : i32 to index
        %parallel_loop3A_254 = tpu.vector_load %arg12[%parallel_loop3A_252, %parallel_loop3A_253] {strides = array<i32>} : memref<16x1024xf32, #tpu.memory_space<vmem>>, vector<1x16xf32>,
        %parallel_loop3A_255 = vector.shape_cast %parallel_loop3A_254 : vector<1x16xf32> to vector<16xf32>
        %parallel_loop3A_256 = arith.index_cast %scan3A_246 : i32 to index
        %parallel_loop3A_257 = arith.index_cast %parallel_loop3A_251 : i32 to index
        %parallel_loop3A_258 = tpu.vector_load %arg9[%parallel_loop3A_256, %parallel_loop3A_257] {strides = array<i32>} : memref<16x1024xf32, #tpu.memory_space<vmem>>, vector<1x16xf32>,
        %parallel_loop3A_259 = vector.shape_cast %parallel_loop3A_258 : vector<1x16xf32> to vector<16xf32>
        %parallel_loop3A_260 = vector.shape_cast %parallel_loop3A_255 : vector<16xf32> to vector<1x16xf32>
        tpu.vector_store %arg9[%parallel_loop3A_256, %parallel_loop3A_257], %parallel_loop3A_260 {add = true, strides = array<i32>} : memref<16x1024xf32, #tpu.memory_space<vmem>>, vector<1x16xf32>,
      } {sc.loop_unroll_factor = 8 : i64, sc.parallel_access}
    }
    %scan3A_221 = arith.constant 16 : i32
    %add3A_222 = arith.constant 984 : i32
    %add3A_223 = arith.addi %mul3A_2, %add3A_222 : i32
    %dma_start3A_224 = arith.constant 0 : i32
    %dma_start3A_225 = tpu.memref_slice %arg5[%add3A_223, %dma_start3A_224] : memref<32000x1024xf32, #tpu.memory_space<hbm>> -> memref<16x1024xf32, #tpu.memory_space<hbm>>
    %dma_start3A_226 = arith.constant 0 : i32
    %dma_start3A_227 = tpu.memref_slice %arg5[%add3A_223, %dma_start3A_226] : memref<32000x1024xf32, #tpu.memory_space<hbm>> -> memref<16x1024xf32, #tpu.memory_space<hbm>>
    tpu.enqueue_dma source(%arg9 : memref<16x1024xf32, #tpu.memory_space<vmem>>) target(%dma_start3A_227 : memref<16x1024xf32, #tpu.memory_space<hbm>>) target_semaphore(%arg21 : memref<!tpu.dma_semaphore, #tpu.memory_space<semaphore_mem>>)
    %dma_wait3A_228 = arith.constant 0 : i32
    %dma_wait3A_229 = arith.constant 0 : i32
    %dma_wait3A_230 = tpu.memref_slice %arg5[%dma_wait3A_228, %dma_wait3A_229] : memref<32000x1024xf32, #tpu.memory_space<hbm>> -> memref<16x1024xf32, #tpu.memory_space<hbm>>
    %dma_wait3A_231 = arith.constant 0 : i32
    %dma_wait3A_232 = arith.constant 0 : i32
    %dma_wait3A_233 = tpu.memref_slice %arg5[%dma_wait3A_231, %dma_wait3A_232] : memref<32000x1024xf32, #tpu.memory_space<hbm>> -> memref<16x1024xf32, #tpu.memory_space<hbm>>
    tpu.wait_dma2 semaphore(%arg19 : memref<!tpu.dma_semaphore, #tpu.memory_space<semaphore_mem>>) src(%arg7 : memref<16x1024xf32, #tpu.memory_space<vmem>>) dst(%dma_wait3A_233 : memref<16x1024xf32, #tpu.memory_space<hbm>>)
    %dma_wait3A_234 = arith.constant 0 : i32
    %dma_wait3A_235 = arith.constant 0 : i32
    %dma_wait3A_236 = tpu.memref_slice %arg5[%dma_wait3A_234, %dma_wait3A_235] : memref<32000x1024xf32, #tpu.memory_space<hbm>> -> memref<16x1024xf32, #tpu.memory_space<hbm>>
    %dma_wait3A_237 = arith.constant 0 : i32
    %dma_wait3A_238 = arith.constant 0 : i32
    %dma_wait3A_239 = tpu.memref_slice %arg5[%dma_wait3A_237, %dma_wait3A_238] : memref<32000x1024xf32, #tpu.memory_space<hbm>> -> memref<16x1024xf32, #tpu.memory_space<hbm>>
    tpu.wait_dma2 semaphore(%arg20 : memref<!tpu.dma_semaphore, #tpu.memory_space<semaphore_mem>>) src(%arg8 : memref<16x1024xf32, #tpu.memory_space<vmem>>) dst(%dma_wait3A_239 : memref<16x1024xf32, #tpu.memory_space<hbm>>)
    %dma_wait3A_240 = arith.constant 0 : i32
    %dma_wait3A_241 = arith.constant 0 : i32
    %dma_wait3A_242 = tpu.memref_slice %arg5[%dma_wait3A_240, %dma_wait3A_241] : memref<32000x1024xf32, #tpu.memory_space<hbm>> -> memref<16x1024xf32, #tpu.memory_space<hbm>>
    %dma_wait3A_243 = arith.constant 0 : i32
    %dma_wait3A_244 = arith.constant 0 : i32
    %dma_wait3A_245 = tpu.memref_slice %arg5[%dma_wait3A_243, %dma_wait3A_244] : memref<32000x1024xf32, #tpu.memory_space<hbm>> -> memref<16x1024xf32, #tpu.memory_space<hbm>>
    tpu.wait_dma2 semaphore(%arg21 : memref<!tpu.dma_semaphore, #tpu.memory_space<semaphore_mem>>) src(%arg9 : memref<16x1024xf32, #tpu.memory_space<vmem>>) dst(%dma_wait3A_245 : memref<16x1024xf32, #tpu.memory_space<hbm>>)
    return
  }
}

</mosaic_0001>

<sc_bundles>
// kernel: kernel.3.cloned.1.call-start
scs
__scs_entry_jumppad:
0x0: {  	(pc) =	sbr.rel $0x88, $3  }
0x1: {  	(tag) =	ssettag $0x0;
	lr =	simm.s32 $0x1  }
0x2: {  	[smem:$0x3F9E] =	sst lr;
	_ =	strace $0xD0000000  }
0x3: {  	_ = 	snop  }
0x4: {  	_ = 	snop  }
0x5: {  	_ = 	snop  }
0x6: {  	_ = 	snop  }
0x7: {  	_ = 	snop  }
__scs_overlays_trampoline_lowered:
0x8: {  	[smem:$0x3FAD] =	sst s0  }
0x9: {  	[smem:$0x3FAE] =	sst s1  }
0xa: {  	[smem:$0x3FAF] =	sst s2  }
0xb: {  	[smem:$0x3FB0] =	sst s3  }
0xc: {  	[smem:$0x3FB1] =	sst s4  }
0xd: {  	[smem:$0x3FB2] =	sst s5  }
0xe: {  	[smem:$0x3FB3] =	sst s6  }
0xf: {  	[smem:$0x3FB4] =	sst s7  }
0x10: {  	[smem:$0x3FB5] =	sst s8  }
0x11: {  	[smem:$0x3FB6] =	sst s9;
	s0 =	simm.s32 @!p0 $0x0  }
0x12: {  	s1 =	sld [smem:$0x3F9C];
	s0 =	simm.s32 @p0 $0x1  }
0x13: {  	[smem:$0x3FB7] =	sst s0;
	s0 =	simm.s32 @!p1 $0x0  }
0x14: {  	s2 =	sld [smem:$0x3F9B];
	s0 =	simm.s32 @p1 $0x1  }
0x15: {  	[smem:$0x3FB8] =	sst s0;
	s0 =	simm.s32 @!p2 $0x0  }
0x16: {  	s3 =	sld [smem:$0x3FDB];
	s0 =	simm.s32 @p2 $0x1  }
0x17: {  	s4 =	simm.s32 $0x1BF5;
	[smem:$0x3FBA] =	sst s0  }
0x18: {  	s0 =	sld [smem:$0x3F9D];
	_ =	swait.ge [sflag:s4], $0x0  }
0x19: {  	s7 =	sld [smem:$0x3F9E]  }
0x1a: {  	s8 =	sadd.s32 $0xFFFFE003, lr  }
0x1b: {  	s9 =	sadd.s32 $0xFFFFFEF7, lr;
	s5 =	simm.s32 $0xFFFFFFFF;
	p2 =	slt.u32 s8, $0xFFFFF086  }
0x1c: {  	p1 =	slt.u32 s9, $0xF7A;
	s5 =	simm.s32 @!p2 $0x0  }
0x1d: {  	s5 =	simm.s32 @p1 $0x1;
	p0 =	seq.s32 s7, s2  }
0x1e: {  	s7 =	smul.u32 @!p0 $0xF7A, s2;
	p2 =	seq.s32 @!p0 s5, $0x0  }
0x1f: {  	s9 =	smul.u32 $0xF7A, s1;
	s8 =	simm.s32 @!p0 $0x1BF5;
	p2 =	por !p2, p0  }
0x20: {  	[sflag:s8] =	ssyncset.s32 @!p0 $0xFFFFF086;
	s6 =	sadd.s32 @!p0 s3, s7;
	s7 =	simm.s32 @!p0 $0x108  }
0x21: {  	s3 =	sadd.s32 s3, s9;
	s6 =	sadd.s32 @!p0 $0x88, s6;
	s7 =	simm.s32 @p2 $0x1082  }
0x22: {  	[simem:s7], [sflag:s8] =	dma.local @!p0 [hbm:s6], $0xF7A  }
0x23: {  	s9 =	sor.u32 $0xD0000000, s2;
	s6 =	simm.s32 $0x108;
	_ =	swait.ge @!p0 [sflag:s8], $0x0  }
0x24: {  	s3 =	sadd.s32 $0x88, s3;
	s6 =	simm.s32 @!p1 $0x1082;
	[sflag:s4] =	ssyncset.s32 $0xFFFFF086  }
0x25: {  	[simem:s6], [sflag:s4] =	dma.local [hbm:s3], $0xF7A  }
0x26: {  	[smem:$0x3F9E] =	sst s1;
	(tag) =	ssettag s2;
	_ =	strace s9  }
0x27: {  	s1 =	sld [smem:$0x3FAE]  }
0x28: {  	s2 =	sld [smem:$0x3FAF]  }
0x29: {  	s4 =	sld [smem:$0x3FB1]  }
0x2a: {  	p0 =	seq.s32 s5, $0x0;
	s5 =	sld [smem:$0x3FB2]  }
0x2b: {  	s6 =	sld [smem:$0x3FB3]  }
0x2c: {  	s7 =	sld [smem:$0x3FB4]  }
0x2d: {  	s3 =	simm.s32 $0x108;
	s8 =	sld [smem:$0x3FB5]  }
0x2e: {  	s3 =	simm.s32 @!p0 $0x1082;
	s9 =	sld [smem:$0x3FB6]  }
0x2f: {  	lr =	sadd.s32 s0, s3;
	s0 =	sld [smem:$0x3FAD]  }
0x30: {  	s3 =	sld [smem:$0x3FB0]  }
0x31: {  	[smem:$0x3FB9] =	sst s10  }
0x32: {  	s10 =	sld [smem:$0x3FB7];
	_ =	sdelay $0x3  }
0x33: {  	p0 =	seq.s32 s10, $0x1;
	s10 =	sld [smem:$0x3FB9];
	_ =	sdelay $0x3  }
0x34: {  	[smem:$0x3FB9] =	sst s10  }
0x35: {  	s10 =	sld [smem:$0x3FB8];
	_ =	sdelay $0x3  }
0x36: {  	p1 =	seq.s32 s10, $0x1;
	s10 =	sld [smem:$0x3FB9];
	_ =	sdelay $0x3  }
0x37: {  	[smem:$0x3FB9] =	sst s10  }
0x38: {  	s10 =	sld [smem:$0x3FBA]  }
0x39: {  	_ = 	snop;
	(pc) =	sbr.ind lr, $3  }
0x3a: {  	_ = 	snop  }
0x3b: {  	_ = 	snop  }
0x3c: {  	p2 =	seq.s32 s10, $0x1;
	s10 =	sld [smem:$0x3FB9]  }
0x3d: {  	_ =	shalt  }
0x3e: {  	_ =	shalt  }
0x3f: {  	_ =	shalt  }
0x40: {  	_ =	shalt  }
0x41: {  	_ =	shalt  }
0x42: {  	_ =	shalt  }
0x43: {  	_ =	shalt  }
0x44: {  	_ =	shalt  }
0x45: {  	_ =	shalt  }
0x46: {  	_ =	shalt  }
0x47: {  	_ =	shalt  }
0x48: {  	_ =	shalt  }
0x49: {  	_ =	shalt  }
0x4a: {  	_ =	shalt  }
0x4b: {  	_ =	shalt  }
0x4c: {  	_ =	shalt  }
0x4d: {  	_ =	shalt  }
0x4e: {  	_ =	shalt  }
0x4f: {  	_ =	shalt  }
0x50: {  	_ =	shalt  }
0x51: {  	_ =	shalt  }
0x52: {  	_ =	shalt  }
0x53: {  	_ =	shalt  }
0x54: {  	_ =	shalt  }
0x55: {  	_ =	shalt  }
0x56: {  	_ =	shalt  }
0x57: {  	_ =	shalt  }
0x58: {  	_ =	shalt  }
0x59: {  	_ =	shalt  }
0x5a: {  	_ =	shalt  }
0x5b: {  	_ =	shalt  }
0x5c: {  	_ =	shalt  }
0x5d: {  	_ =	shalt  }
0x5e: {  	_ =	shalt  }
0x5f: {  	_ =	shalt  }
0x60: {  	_ =	shalt  }
0x61: {  	_ =	shalt  }
0x62: {  	_ =	shalt  }
0x63: {  	_ =	shalt  }
0x64: {  	_ =	shalt  }
0x65: {  	_ =	shalt  }
0x66: {  	_ =	shalt  }
0x67: {  	_ =	shalt  }
0x68: {  	_ =	shalt  }
0x69: {  	_ =	shalt  }
0x6a: {  	_ =	shalt  }
0x6b: {  	_ =	shalt  }
0x6c: {  	_ =	shalt  }
0x6d: {  	_ =	shalt  }
0x6e: {  	_ =	shalt  }
0x6f: {  	_ =	shalt  }
0x70: {  	_ =	shalt  }
0x71: {  	_ =	shalt  }
0x72: {  	_ =	shalt  }
0x73: {  	_ =	shalt  }
0x74: {  	_ =	shalt  }
0x75: {  	_ =	shalt  }
0x76: {  	_ =	shalt  }
0x77: {  	_ =	shalt  }
0x78: {  	_ =	shalt  }
0x79: {  	_ =	shalt  }
0x7a: {  	_ =	shalt  }
0x7b: {  	_ =	shalt  }
0x7c: {  	_ =	shalt  }
0x7d: {  	_ =	shalt  }
0x7e: {  	_ =	shalt  }
0x7f: {  	_ =	shalt  }
0x80: {  	_ =	shalt  }
0x81: {  	_ =	shalt  }
0x82: {  	_ =	shalt  }
0x83: {  	_ =	shalt  }
0x84: {  	_ =	shalt  }
0x85: {  	_ =	shalt  }
0x86: {  	_ =	shalt  }
0x87: {  	_ =	shalt  }
.Lfunc_end0:
.L_simem_size_0:
called_computation_lowered:
.L_overlay_start_0:
0x88: {  	s2 =	sld [smem:$0x3FD9]  }
0x89: {  	s3 =	sld [smem:$0x3FFE];
	_ =	sdelay $0x1  }
0x8a: {  	s1 =	srdreg.scid  }
0x8b: {  	s0 =	sand.u32 $0x1, s1  }
0x8c: {  	s17 =	sshll.u32 s0, $0xA;
	s2 =	sadd.s32 s3, s2  }
0x8d: {  	s2 =	sadd.s32 s2, s17  }
0x8e: {  	[smem:$0x3FC5] =	sst s2  }
0x8f: {  	_ = 	snop  }
0x90: {  	s2 =	sld [smem:$0x3FC9]  }
0x91: {  	s18 =	sld [smem:$0x3FC7]  }
0x92: {  	s4 =	sld [smem:$0x3FD0];
	(tm) =	ssettm $0x1  }
0x93: {  	s5 =	sld [smem:$0x3FFB];
	_ =	sdelay $0x3  }
0x94: {  	_ =	strace s5  }
0x95: {  	s5 =	sld [smem:$0x3FFC];
	_ =	sdelay $0x3  }
0x96: {  	_ =	strace s5  }
0x97: {  	s5 =	sld [smem:$0x3FFD];
	_ =	sdelay $0x3  }
0x98: {  	_ =	strace s5  }
0x99: {  	_ =	strace $0x8FFFFFFF  }
0x9a: {  	s19 =	sld [smem:$0x3FDB];
	_ =	sdelay $0x1  }
0x9b: {  	s6 =	simm.s32 $_scs_section_size  }
0x9c: {  	s7 =	simm.s32 $_size__tile_overlayer_lowered;
	s8 =	simm.s32 $_tile_overlayer_lowered  }
0x9d: {  	s22 =	simm.s32 $0x1BFF;
	s21 =	sshll.u32 s8, $0x1;
	s5 =	sadd.s32 s6, s19  }
0x9e: {  	s9 =	simm.s32 $0x0;
	s20 =	sshll.u32 s7, $0x1;
	s7 =	sadd.s32 s21, s5  }
0x9f: {  	[timem:s9], [sflag:s22] =	dma.local [hbm:s7], s20  }
0xa0: {  	_ =	swait.ge [sflag:s22], s20  }
0xa1: {  	s6 =	ssub.s32 $0x0, s20;
	[sflag:s22] =	ssyncset.done $0x0  }
0xa2: {  	[sflag:s22] =	ssyncadd.s32 s6;
	_ =	sdelay $0x1  }
0xa3: {  	s23 =	simm.s32 $0x1B8B  }
0xa4: {  	_ =	swait.ge [sflag:s23], $0x1  }
0xa5: {  	[sflag:s23] =	ssyncset.done $0x0  }
0xa6: {  	s25 =	simm.s32 $0x1B8E;
	s24 =	sld [smem:$0x3FFE];
	[sflag:s23] =	ssyncadd.s32 $0xFFFFFFFF  }
0xa7: {  	s26 =	simm.s32 $execute0_lowered;
	[smem:$0x3FD2] =	sst s25  }
0xa8: {  	s7 =	sshll.u32 s26, $0x1;
	_ =	strace $0x80000046;
	[dreg:$0x1] =	wrdreg $0xFFFFFFFF  }
0xa9: {  	s28 =	simm.s32 $_size_execute0_lowered;
	s5 =	sadd.s32 s5, s7;
	[dreg:$0x0] =	wrdreg $0x0  }
0xaa: {  	s7 =	sshll.u32 s28, $0x1;
	[dreg:$0x2] =	wrdreg s5  }
0xab: {  	[dreg:$0x3] =	wrdreg s7  }
0xac: {  	[dreg:$0x4] =	wrdreg $0xC0  }
0xad: {  	_ =	task [dreg:s9], $0x5FFFF  }
0xae: {  	[dreg:$0x1] =	wrdreg $0xFFFFFFFF  }
0xaf: {  	[dreg:$0x0] =	wrdreg $0x60  }
0xb0: {  	[dreg:$0x2] =	wrdreg s2  }
0xb1: {  	[dreg:$0x3] =	wrdreg s24  }
0xb2: {  	[dreg:$0x4] =	wrdreg s18  }
0xb3: {  	[dreg:$0x5] =	wrdreg s4  }
0xb4: {  	[dreg:$0x6] =	wrdreg $0x9  }
0xb5: {  	_ =	task.clear_ibuf [dreg:s9], $0x7FFFF;
	_ =	strace $0x90000046  }
0xb6: {  	s29 =	simm.s32 $0x9;
	_ =	strace $0x80000048  }
0xb7: {  	_ =	swait.ge [sflag:s29], $0x1  }
0xb8: {  	[sflag:s29] =	ssyncadd.s32 $0xFFFFFFFF  }
0xb9: {  	_ =	strace $0x90000048  }
0xba: {  	_ =	sfence  }
0xbb: {  	s30 =	sld [smem:$0x0];
	_ =	sdelay $0x2  }
0xbc: {  	s31 =	sshll.u32 s1, $0xD;
	s1 =	sshrl.u32 s1, $0x2  }
0xbd: {  	s3 =	sand.u32 $0x4000, s31;
	s1 =	sadd.s32 s1, s30  }
0xbe: {  	s0 =	sor.u32 s3, s0;
	s1 =	sshll.u32 s1, $0x11  }
0xbf: {  	s0 =	sor.u32 s1, s0  }
0xc0: {  	s0 =	sadd.s32 $0x8F2B, s0  }
0xc1: {  	[sflag:s0] =	ssyncadd.remote.s32 $0x1  }
0xc2: {  	_ =	sfence.sel $0xFFFF  }
0xc3: {  	[dreg:$0x0] =	wrdreg $0xFFFFFFFF;
	(pc) =	sbr.abs _section_cstart, $3  }
0xc4: {  	[dreg:$0x1] =	wrdreg $0xFFFFFFFF  }
0xc5: {  	_ =	task.clear_ibuf [dreg:s9], $0x2FFFF;
	_ =	strace $0x9FFFFFFF  }
0xc6: {  	(tm) =	ssettm $0x7FFFFFFF  }
0xc7: {  	_ =	shalt  }
tec
execute0_lowered:
.L_overlay_start_1:
0x0: {  	(tag) =	ssettag $0x1  }
0x1: {  	s1 =	rddreg [dreg:$0x0]  }
0x2: {  	s0 =	rddreg [dreg:$0x1];
	s2 =	srdreg.scid  }
0x3: {  	s4 =	stileid.u32;
	s3 =	rddreg [dreg:$0x2]  }
0x4: {  	s28 =	simm.s32 $0x8400;
	s2 =	sand.u32 $0x1, s2;
	s5 =	sshll.u32 s4, $0x1  }
0x5: {  	s14 =	simm.s32 $0x5;
	s15 =	simm.s32 $0x7;
	s7 =	sor.u32 s2, s5  }
0x6: {  	s4 =	rddreg [dreg:$0x3];
	s12 =	sadd.s32 $0x200, s3;
	s6 =	smul.u32 $0x3E8, s7  }
0x7: {  	s5 =	simm.s32 $0x0;
	s2 =	ssub.s32 $0x2, s2;
	s8 =	smul.u32 $0xFA000, s7  }
0x8: {  	[smem:$0x7FF] =	sst s5;
	s10 =	sshrl.u32 s2, $0x1;
	s7 =	smul.u32 $0x1F400, s7  }
0x9: {  	s13 =	sadd.s32 $0x300, s3;
	_ =	strace $0x80000047;
	s2 =	ssub.s32 s2, s10  }
0xa: {  	s10 =	simm.s32 $0x2;
	s9 =	sshrl.u32 s6, $0x3;
	s17 =	sadd.s32 s1, s7  }
0xb: {  	s8 =	sshrl.u32 s8, $0x3;
	s7 =	sadd.s32 s4, s7;
	[dreg:$0x5] =	wrdreg s17  }
0xc: {  	s25 =	sadd.s32 $0x10, s6;
	s31 =	smax.u32 s2, $0x1;
	[dreg:$0x9] =	wrdreg s7  }
0xd: {  	s2 =	simm.s32 $0x0;
	s16 =	sadd.s32 $0x800, s8;
	[dreg:$0xe] =	wrdreg s25  }
0xe: {  	s19 =	sadd.s32 $0x1000, s8;
	[dreg:$0x13] =	wrdreg s31;
	s18 =	sadd.s32 s1, s16  }
0xf: {  	s0 =	sadd.s32 s9, s0;
	s11 =	sadd.s32 s1, s19;
	[dreg:$0x6] =	wrdreg s18  }
0x10: {  	s20 =	sadd.s32 s1, s8;
	s0 =	sadd.s32 $0x400, s0;
	[dreg:$0x7] =	wrdreg s11  }
0x11: {  	s24 =	sadd.s32 s4, s8;
	s21 =	sadd.s32 s4, s16;
	[dreg:$0x8] =	wrdreg s0  }
0x12: {  	s29 =	sadd.s32 $0x1EC00, s8;
	s22 =	sadd.s32 $0x1800, s20;
	[dreg:$0xa] =	wrdreg s21  }
0x13: {  	s9 =	simm.s32 $0x4;
	s23 =	sadd.s32 s4, s19;
	[dreg:$0xb] =	wrdreg s22  }
0x14: {  	s17 =	simm.s32 $0x6;
	s26 =	sadd.s32 $0x1E000, s24;
	[dreg:$0xc] =	wrdreg s23  }
0x15: {  	s8 =	sadd.s32 s1, s29;
	s30 =	sadd.s32 s4, s29;
	[dreg:$0xf] =	wrdreg s26  }
0x16: {  	s16 =	simm.s32 $0x3;
	s11 =	sadd.s32 $0x100, s3;
	[dreg:$0x10] =	wrdreg s8  }
0x17: {  	v2 =	vlaneseq.u32;
	s0 =	sadd.s32 $0x2000, s20;
	[dreg:$0x12] =	wrdreg s30;
	s26 =	simm.s32 $0x4400  }
0x18: {  	vm0 =	vmmov $0xffff;
	v1 =	vshrl.u32 v2, $0x3;
	s8 =	simm.s32 $0x1;
	[dreg:$0xd] =	wrdreg s0;
	s0 =	sadd.s32 $0x1E800, s24  }
0x19: {  	v0 =	vand.u32 $0x7, v2;
	v2 =	vor.u32 $0x8, v2;
	v1 =	vmul.u32 $0x8, v1;
	s18 =	simm.s32 $0x8;
	s20 =	simm.s32 $0x9;
	[dreg:$0x11] =	wrdreg s0  }
.LBB2_1:
0x1a: {  	[dreg:$0x14] =	wrdreg s2  }
0x1b: {  	s0 =	rddreg [dreg:$0x5];
	s22 =	simm.s32 $0x400  }
0x1c: {  	[tilespmem:s22], [sflag:$0x1] =	stream.linear.gather [hbm4b:s0+s5], $0x4000, $0x38;
	[tilespmem:$0x18400] =	vst v63  }
0x1d: {  	s23 =	rddreg [dreg:$0x6]  }
0x1e: {  	[tilespmem:s26], [sflag:$0x2] =	stream.linear.gather [hbm4b:s23+s5], $0x4000, $0x38;
	[tilespmem:$0x18400] =	vst v63  }
0x1f: {  	s24 =	rddreg [dreg:$0x7]  }
0x20: {  	[tilespmem:s28], [sflag:$0x3] =	stream.linear.gather [hbm4b:s24+s5], $0x4000, $0x38;
	[tilespmem:$0x18400] =	vst v63  }
0x21: {  	s25 =	rddreg [dreg:$0x8];
	s29 =	simm.s32 $0xA  }
0x22: {  	[tilespmem:s5], [sflag:$0xA] =	stream.linear.gather [hbm4b:s25+s5], $0x3E8, $0x38;
	[tilespmem:$0x18400] =	vst v63  }
0x23: {  	_ =	swait.ge [sflag:s29], $0x3E8  }
0x24: {  	[sflag:s29] =	ssyncset.done $0x0  }
0x25: {  	[sflag:s29] =	ssyncadd.s32 $0xFFFFFC18  }
0x26: {  	v3 =	vld [tilespmem:$0x0];
	_ =	sdelay $0x4  }
0x27: {  	v4 =	vshll.u32 v3, $0x3  }
0x28: {  	v3 =	vand.u32 $0x7, v3;
	v4 =	vand.u32 $0xFFFFFFC0, v4  }
0x29: {  	v3 =	vor.u32 v3, v4  }
0x2a: {  	v4 =	vperm.xlane v3, v0;
	_ =	sdelay $0x1  }
0x2b: {  	v4 =	vadd.s32 v1, v4;
	_ =	sdelay $0x3  }
0x2c: {  	s30 =	simm.s32 $0xC400  }
0x2d: {  	[tilespmem:s30], [sflag:$0x4] =	stream.indirect_vreg.gather [hbm4b:s3+s5], $0x80, v4, vm0, $0xb8;
	[tilespmem:$0x18400] =	vst v63  }
0x2e: {  	s31 =	simm.s32 $0xCC00;
	v3 =	vperm.xlane v3, v2  }
0x2f: {  	[tilespmem:s31], [sflag:$0x4] =	stream.indirect_vreg.gather [hbm4b:s11+s5], $0x80, v4, vm0, $0xb8;
	[tilespmem:$0x18400] =	vst v63  }
0x30: {  	s2 =	simm.s32 $0xD400;
	v3 =	vadd.s32 v1, v3  }
0x31: {  	[tilespmem:s2], [sflag:$0x4] =	stream.indirect_vreg.gather [hbm4b:s12+s5], $0x80, v4, vm0, $0xb8;
	[tilespmem:$0x18400] =	vst v63  }
0x32: {  	s7 =	simm.s32 $0xDC00  }
0x33: {  	[tilespmem:s7], [sflag:$0x4] =	stream.indirect_vreg.gather [hbm4b:s13+s5], $0x80, v4, vm0, $0xb8;
	[tilespmem:$0x18400] =	vst v63  }
0x34: {  	s19 =	simm.s32 $0xE400  }
0x35: {  	[tilespmem:s19], [sflag:$0x4] =	stream.indirect_vreg.gather [hbm4b:s3+s5], $0x80, v3, vm0, $0xb8;
	[tilespmem:$0x18400] =	vst v63  }
0x36: {  	s21 =	simm.s32 $0xEC00  }
0x37: {  	[tilespmem:s21], [sflag:$0x4] =	stream.indirect_vreg.gather [hbm4b:s11+s5], $0x80, v3, vm0, $0xb8;
	[tilespmem:$0x18400] =	vst v63  }
0x38: {  	s22 =	simm.s32 $0xF400  }
0x39: {  	[tilespmem:s22], [sflag:$0x4] =	stream.indirect_vreg.gather [hbm4b:s12+s5], $0x80, v3, vm0, $0xb8;
	[tilespmem:$0x18400] =	vst v63  }
0x3a: {  	s23 =	simm.s32 $0xFC00  }
0x3b: {  	[tilespmem:s23], [sflag:$0x4] =	stream.indirect_vreg.gather [hbm4b:s13+s5], $0x80, v3, vm0, $0xb8;
	[tilespmem:$0x18400] =	vst v63  }
0x3c: {  	v3 =	vld [tilespmem:$0x10];
	_ =	sdelay $0x4  }
0x3d: {  	v62 =	vshll.u32 v3, $0x3  }
0x3e: {  	v3 =	vand.u32 $0x7, v3;
	v4 =	vand.u32 $0xFFFFFFC0, v62  }
0x3f: {  	v3 =	vor.u32 v3, v4  }
0x40: {  	v4 =	vperm.xlane v3, v0;
	_ =	sdelay $0x1  }
0x41: {  	v4 =	vadd.s32 v1, v4;
	_ =	sdelay $0x3  }
0x42: {  	s24 =	simm.s32 $0x10400  }
0x43: {  	[tilespmem:s24], [sflag:$0x5] =	stream.indirect_vreg.gather [hbm4b:s3+s5], $0x80, v4, vm0, $0xb8;
	[tilespmem:$0x18400] =	vst v63  }
0x44: {  	s25 =	simm.s32 $0x10C00;
	v3 =	vperm.xlane v3, v2  }
0x45: {  	[tilespmem:s25], [sflag:$0x5] =	stream.indirect_vreg.gather [hbm4b:s11+s5], $0x80, v4, vm0, $0xb8;
	[tilespmem:$0x18400] =	vst v63  }
0x46: {  	s29 =	simm.s32 $0x11400;
	v3 =	vadd.s32 v1, v3  }
0x47: {  	[tilespmem:s29], [sflag:$0x5] =	stream.indirect_vreg.gather [hbm4b:s12+s5], $0x80, v4, vm0, $0xb8;
	[tilespmem:$0x18400] =	vst v63  }
0x48: {  	s30 =	simm.s32 $0x11C00  }
0x49: {  	[tilespmem:s30], [sflag:$0x5] =	stream.indirect_vreg.gather [hbm4b:s13+s5], $0x80, v4, vm0, $0xb8;
	[tilespmem:$0x18400] =	vst v63  }
0x4a: {  	s31 =	simm.s32 $0x12400  }
0x4b: {  	[tilespmem:s31], [sflag:$0x5] =	stream.indirect_vreg.gather [hbm4b:s3+s5], $0x80, v3, vm0, $0xb8;
	[tilespmem:$0x18400] =	vst v63  }
0x4c: {  	s2 =	simm.s32 $0x12C00  }
0x4d: {  	[tilespmem:s2], [sflag:$0x5] =	stream.indirect_vreg.gather [hbm4b:s11+s5], $0x80, v3, vm0, $0xb8;
	[tilespmem:$0x18400] =	vst v63  }
0x4e: {  	s7 =	simm.s32 $0x13400  }
0x4f: {  	[tilespmem:s7], [sflag:$0x5] =	stream.indirect_vreg.gather [hbm4b:s12+s5], $0x80, v3, vm0, $0xb8;
	[tilespmem:$0x18400] =	vst v63  }
0x50: {  	s19 =	simm.s32 $0x13C00  }
0x51: {  	[tilespmem:s19], [sflag:$0x5] =	stream.indirect_vreg.gather [hbm4b:s13+s5], $0x80, v3, vm0, $0xb8;
	[tilespmem:$0x18400] =	vst v63  }
0x52: {  	v3 =	vld [tilespmem:$0x20];
	_ =	sdelay $0x4  }
0x53: {  	v63 =	vshll.u32 v3, $0x3  }
0x54: {  	v3 =	vand.u32 $0x7, v3;
	v4 =	vand.u32 $0xFFFFFFC0, v63  }
0x55: {  	v3 =	vor.u32 v3, v4  }
0x56: {  	v4 =	vperm.xlane v3, v0;
	_ =	sdelay $0x1  }
0x57: {  	v4 =	vadd.s32 v1, v4;
	_ =	sdelay $0x3  }
0x58: {  	s21 =	simm.s32 $0x14400  }
0x59: {  	[tilespmem:s21], [sflag:$0x6] =	stream.indirect_vreg.gather [hbm4b:s3+s5], $0x80, v4, vm0, $0xb8;
	[tilespmem:$0x18400] =	vst v63  }
0x5a: {  	s22 =	simm.s32 $0x14C00;
	v3 =	vperm.xlane v3, v2  }
0x5b: {  	[tilespmem:s22], [sflag:$0x6] =	stream.indirect_vreg.gather [hbm4b:s11+s5], $0x80, v4, vm0, $0xb8;
	[tilespmem:$0x18400] =	vst v63  }
0x5c: {  	s23 =	simm.s32 $0x15400;
	v3 =	vadd.s32 v1, v3  }
0x5d: {  	[tilespmem:s23], [sflag:$0x6] =	stream.indirect_vreg.gather [hbm4b:s12+s5], $0x80, v4, vm0, $0xb8;
	[tilespmem:$0x18400] =	vst v63  }
0x5e: {  	s24 =	simm.s32 $0x15C00  }
0x5f: {  	[tilespmem:s24], [sflag:$0x6] =	stream.indirect_vreg.gather [hbm4b:s13+s5], $0x80, v4, vm0, $0xb8;
	[tilespmem:$0x18400] =	vst v63  }
0x60: {  	s25 =	simm.s32 $0x16400  }
0x61: {  	[tilespmem:s25], [sflag:$0x6] =	stream.indirect_vreg.gather [hbm4b:s3+s5], $0x80, v3, vm0, $0xb8;
	[tilespmem:$0x18400] =	vst v63  }
0x62: {  	s29 =	simm.s32 $0x16C00  }
0x63: {  	[tilespmem:s29], [sflag:$0x6] =	stream.indirect_vreg.gather [hbm4b:s11+s5], $0x80, v3, vm0, $0xb8;
	[tilespmem:$0x18400] =	vst v63  }
0x64: {  	s30 =	simm.s32 $0x17400  }
0x65: {  	[tilespmem:s30], [sflag:$0x6] =	stream.indirect_vreg.gather [hbm4b:s12+s5], $0x80, v3, vm0, $0xb8;
	[tilespmem:$0x18400] =	vst v63  }
0x66: {  	s31 =	simm.s32 $0x17C00  }
0x67: {  	[tilespmem:s31], [sflag:$0x6] =	stream.indirect_vreg.gather [hbm4b:s13+s5], $0x80, v3, vm0, $0xb8;
	[tilespmem:$0x18400] =	vst v63  }
0x68: {  	_ =	swait.ge [sflag:s8], $0x4000  }
0x69: {  	[sflag:s8] =	ssyncset.done $0x0  }
0x6a: {  	[sflag:s8] =	ssyncadd.s32 $0xFFFFC000  }
0x6b: {  	_ =	swait.ge [sflag:s9], $0x4000  }
0x6c: {  	s21 =	simm.s32 $0x0;
	[sflag:s9] =	ssyncset.done $0x0  }
0x6d: {  	s22 =	simm.s32 $0x0;
	s23 =	simm.s32 $0x0;
	[sflag:s9] =	ssyncadd.s32 $0xFFFFC000  }
.LBB2_2:
0x6e: {  	s0 =	sand.u32 $0x7, s22  }
0x6f: {  	s0 =	sshll.u32 s0, $0x9  }
0x70: {  	s24 =	sshrl.u32 s0, $0x2  }
0x71: {  	v3 =	vmov s24;
	_ =	sdelay $0x2  }
0x72: {  	s31 =	sand.u32 $0x3FFFE000, s21  }
0x73: {  	s7 =	sadd.s32 $0xC440, s31  }
0x74: {  	v4 =	vld.idx.msk [tilespmem:v3+s7+$0x30 ss:$0x1], $0xffff  }
0x75: {  	v5 =	vld.idx.msk [tilespmem:v3+s7+$0xFFFFFFD0 ss:$0x1], $0xffff  }
0x76: {  	v6 =	vld.idx.msk [tilespmem:v3+s7+$0xFFFFFFE0 ss:$0x1], $0xffff  }
0x77: {  	v7 =	vld.idx.msk [tilespmem:v3+s7+$0xFFFFFFF0 ss:$0x1], $0xffff  }
0x78: {  	v8 =	vld.idx.msk [tilespmem:v3+s7+$0x0 ss:$0x1], $0xffff  }
0x79: {  	s2 =	sor.u32 $0x400, s31;
	v9 =	vld.idx.msk [tilespmem:v3+s7+$0x10 ss:$0x1], $0xffff  }
0x7a: {  	s19 =	sadd.s32 s24, s2;
	v10 =	vld.idx.msk [tilespmem:v3+s7+$0xFFFFFFC0 ss:$0x1], $0xffff  }
0x7b: {  	[tilespmem:s19+$0x70] =	vst.add.f32.msk $0xffff, v4  }
0x7c: {  	v4 =	vld.idx.msk [tilespmem:v3+s7+$0x20 ss:$0x1], $0xffff  }
0x7d: {  	[tilespmem:s19+$0x10] =	vst.add.f32.msk $0xffff, v5  }
0x7e: {  	[tilespmem:s19+$0x20] =	vst.add.f32.msk $0xffff, v6  }
0x7f: {  	[tilespmem:s19+$0x30] =	vst.add.f32.msk $0xffff, v7  }
0x80: {  	[tilespmem:s19+$0x40] =	vst.add.f32.msk $0xffff, v8  }
0x81: {  	[tilespmem:s19+$0x50] =	vst.add.f32.msk $0xffff, v9  }
0x82: {  	[tilespmem:s19+$0x0] =	vst.add.f32.msk $0xffff, v10  }
0x83: {  	s0 =	simm.s32 $0x0;
	s7 =	sadd.s32 $0x400, s7;
	[tilespmem:s19+$0x60] =	vst.add.f32.msk $0xffff, v4  }
.LBB2_3:
0x84: {  	v4 =	vld.idx.msk [tilespmem:v3+s7+$0x30 ss:$0x1], $0xffff;
	s0 =	sadd.s32 $0x8, s0  }
0x85: {  	v5 =	vld.idx.msk [tilespmem:v3+s7+$0xFFFFFFD0 ss:$0x1], $0xffff;
	p0 =	slt.u32 s0, $0x38  }
0x86: {  	v6 =	vld.idx.msk [tilespmem:v3+s7+$0xFFFFFFE0 ss:$0x1], $0xffff  }
0x87: {  	v7 =	vld.idx.msk [tilespmem:v3+s7+$0xFFFFFFF0 ss:$0x1], $0xffff  }
0x88: {  	s2 =	sadd.s32 $0x400, s2;
	v8 =	vld.idx.msk [tilespmem:v3+s7+$0x0 ss:$0x1], $0xffff  }
0x89: {  	s19 =	sadd.s32 s24, s2;
	v9 =	vld.idx.msk [tilespmem:v3+s7+$0x10 ss:$0x1], $0xffff  }
0x8a: {  	[tilespmem:s19+$0x70] =	vst.add.f32.msk $0xffff, v4  }
0x8b: {  	v4 =	vld.idx.msk [tilespmem:v3+s7+$0x20 ss:$0x1], $0xffff  }
0x8c: {  	v10 =	vld.idx.msk [tilespmem:v3+s7+$0xFFFFFFC0 ss:$0x1], $0xffff  }
0x8d: {  	[tilespmem:s19+$0x10] =	vst.add.f32.msk $0xffff, v5  }
0x8e: {  	[tilespmem:s19+$0x20] =	vst.add.f32.msk $0xffff, v6  }
.Ltmp0:
0x8f: {  	[tilespmem:s19+$0x30] =	vst.add.f32.msk $0xffff, v7;
	(pc) =	sbr.rel @p0 .LBB2_3-.Ltmp0, $4  }
0x90: {  	[tilespmem:s19+$0x40] =	vst.add.f32.msk $0xffff, v8  }
0x91: {  	[tilespmem:s19+$0x50] =	vst.add.f32.msk $0xffff, v9  }
0x92: {  	[tilespmem:s19+$0x0] =	vst.add.f32.msk $0xffff, v10  }
0x93: {  	s7 =	sadd.s32 $0x400, s7;
	[tilespmem:s19+$0x60] =	vst.add.f32.msk $0xffff, v4  }
0x94: {  	s23 =	sadd.s32 $0x1, s23  }
0x95: {  	p0 =	sne.s32 s23, $0x10  }
.Ltmp1:
0x96: {  	_ = 	snop;
	(pc) =	sbr.rel @p0 .LBB2_2-.Ltmp1, $2  }
0x97: {  	_ =	sdelay $0x2  }
0x98: {  	s22 =	sadd.s32 $0x1, s22;
	s21 =	sadd.s32 $0x400, s21  }
0x99: {  	s21 =	simm.s32 $0x0;
	s0 =	rddreg [dreg:$0x9];
	s2 =	simm.s32 $0x400  }
0x9a: {  	[hbm4b:s0+s21] =	stream.linear.scatter [tilespmem:s2], [sflag:$0x7], $0x4000, $0x38;
	[tilespmem:$0x18400] =	vst v63  }
0x9b: {  	_ =	swait.ge [sflag:s10], $0x4000  }
0x9c: {  	[sflag:s10] =	ssyncset.done $0x0  }
0x9d: {  	[sflag:s10] =	ssyncadd.s32 $0xFFFFC000  }
0x9e: {  	_ =	swait.ge [sflag:s14], $0x4000  }
0x9f: {  	[sflag:s14] =	ssyncset.done $0x0  }
0xa0: {  	[sflag:s14] =	ssyncadd.s32 $0xFFFFC000  }
0xa1: {  	v3 =	vld [tilespmem:$0x30];
	_ =	sdelay $0x4  }
0xa2: {  	v4 =	vshll.u32 v3, $0x3  }
0xa3: {  	v3 =	vand.u32 $0x7, v3;
	v4 =	vand.u32 $0xFFFFFFC0, v4  }
0xa4: {  	v3 =	vor.u32 v3, v4  }
0xa5: {  	v4 =	vperm.xlane v3, v0;
	_ =	sdelay $0x1  }
0xa6: {  	v4 =	vadd.s32 v1, v4;
	_ =	sdelay $0x3  }
0xa7: {  	s19 =	simm.s32 $0xC400  }
0xa8: {  	[tilespmem:s19], [sflag:$0x4] =	stream.indirect_vreg.gather [hbm4b:s3+s21], $0x80, v4, vm0, $0xb8;
	[tilespmem:$0x18400] =	vst v63  }
0xa9: {  	s22 =	simm.s32 $0xCC00;
	v3 =	vperm.xlane v3, v2  }
0xaa: {  	[tilespmem:s22], [sflag:$0x4] =	stream.indirect_vreg.gather [hbm4b:s11+s21], $0x80, v4, vm0, $0xb8;
	[tilespmem:$0x18400] =	vst v63  }
0xab: {  	s23 =	simm.s32 $0xD400;
	v3 =	vadd.s32 v1, v3  }
0xac: {  	[tilespmem:s23], [sflag:$0x4] =	stream.indirect_vreg.gather [hbm4b:s12+s21], $0x80, v4, vm0, $0xb8;
	[tilespmem:$0x18400] =	vst v63  }
0xad: {  	s24 =	simm.s32 $0xDC00  }
0xae: {  	[tilespmem:s24], [sflag:$0x4] =	stream.indirect_vreg.gather [hbm4b:s13+s21], $0x80, v4, vm0, $0xb8;
	[tilespmem:$0x18400] =	vst v63  }
0xaf: {  	s25 =	simm.s32 $0xE400  }
0xb0: {  	[tilespmem:s25], [sflag:$0x4] =	stream.indirect_vreg.gather [hbm4b:s3+s21], $0x80, v3, vm0, $0xb8;
	[tilespmem:$0x18400] =	vst v63  }
0xb1: {  	s29 =	simm.s32 $0xEC00  }
0xb2: {  	[tilespmem:s29], [sflag:$0x4] =	stream.indirect_vreg.gather [hbm4b:s11+s21], $0x80, v3, vm0, $0xb8;
	[tilespmem:$0x18400] =	vst v63  }
0xb3: {  	s30 =	simm.s32 $0xF400  }
0xb4: {  	[tilespmem:s30], [sflag:$0x4] =	stream.indirect_vreg.gather [hbm4b:s12+s21], $0x80, v3, vm0, $0xb8;
	[tilespmem:$0x18400] =	vst v63  }
0xb5: {  	s31 =	simm.s32 $0xFC00;
	s22 =	simm.s32 $0x0;
	s23 =	simm.s32 $0x0  }
0xb6: {  	[tilespmem:s31], [sflag:$0x4] =	stream.indirect_vreg.gather [hbm4b:s13+s21], $0x80, v3, vm0, $0xb8;
	[tilespmem:$0x18400] =	vst v63  }
.LBB2_6:
0xb7: {  	s0 =	sand.u32 $0x7, s22  }
0xb8: {  	s0 =	sshll.u32 s0, $0x9  }
0xb9: {  	s24 =	sshrl.u32 s0, $0x2  }
0xba: {  	v3 =	vmov s24;
	_ =	sdelay $0x2  }
0xbb: {  	s31 =	sand.u32 $0x3FFFE000, s21  }
0xbc: {  	s7 =	sadd.s32 $0x10440, s31  }
0xbd: {  	v4 =	vld.idx.msk [tilespmem:v3+s7+$0x30 ss:$0x1], $0xffff  }
0xbe: {  	v5 =	vld.idx.msk [tilespmem:v3+s7+$0xFFFFFFD0 ss:$0x1], $0xffff  }
0xbf: {  	v6 =	vld.idx.msk [tilespmem:v3+s7+$0xFFFFFFE0 ss:$0x1], $0xffff  }
0xc0: {  	v7 =	vld.idx.msk [tilespmem:v3+s7+$0xFFFFFFF0 ss:$0x1], $0xffff  }
0xc1: {  	v8 =	vld.idx.msk [tilespmem:v3+s7+$0x0 ss:$0x1], $0xffff  }
0xc2: {  	s2 =	sadd.s32 $0x4400, s31;
	v9 =	vld.idx.msk [tilespmem:v3+s7+$0x10 ss:$0x1], $0xffff  }
0xc3: {  	s19 =	sadd.s32 s24, s2;
	v10 =	vld.idx.msk [tilespmem:v3+s7+$0xFFFFFFC0 ss:$0x1], $0xffff  }
0xc4: {  	[tilespmem:s19+$0x70] =	vst.add.f32.msk $0xffff, v4  }
0xc5: {  	v4 =	vld.idx.msk [tilespmem:v3+s7+$0x20 ss:$0x1], $0xffff  }
0xc6: {  	[tilespmem:s19+$0x10] =	vst.add.f32.msk $0xffff, v5  }
0xc7: {  	[tilespmem:s19+$0x20] =	vst.add.f32.msk $0xffff, v6  }
0xc8: {  	[tilespmem:s19+$0x30] =	vst.add.f32.msk $0xffff, v7  }
0xc9: {  	[tilespmem:s19+$0x40] =	vst.add.f32.msk $0xffff, v8  }
0xca: {  	[tilespmem:s19+$0x50] =	vst.add.f32.msk $0xffff, v9  }
0xcb: {  	[tilespmem:s19+$0x0] =	vst.add.f32.msk $0xffff, v10  }
0xcc: {  	s0 =	simm.s32 $0x0;
	s7 =	sadd.s32 $0x400, s7;
	[tilespmem:s19+$0x60] =	vst.add.f32.msk $0xffff, v4  }
.LBB2_7:
0xcd: {  	v4 =	vld.idx.msk [tilespmem:v3+s7+$0x30 ss:$0x1], $0xffff;
	s0 =	sadd.s32 $0x8, s0  }
0xce: {  	v5 =	vld.idx.msk [tilespmem:v3+s7+$0xFFFFFFD0 ss:$0x1], $0xffff;
	p0 =	slt.u32 s0, $0x38  }
0xcf: {  	v6 =	vld.idx.msk [tilespmem:v3+s7+$0xFFFFFFE0 ss:$0x1], $0xffff  }
0xd0: {  	v7 =	vld.idx.msk [tilespmem:v3+s7+$0xFFFFFFF0 ss:$0x1], $0xffff  }
0xd1: {  	s2 =	sadd.s32 $0x400, s2;
	v8 =	vld.idx.msk [tilespmem:v3+s7+$0x0 ss:$0x1], $0xffff  }
0xd2: {  	s19 =	sadd.s32 s24, s2;
	v9 =	vld.idx.msk [tilespmem:v3+s7+$0x10 ss:$0x1], $0xffff  }
0xd3: {  	[tilespmem:s19+$0x70] =	vst.add.f32.msk $0xffff, v4  }
0xd4: {  	v4 =	vld.idx.msk [tilespmem:v3+s7+$0x20 ss:$0x1], $0xffff  }
0xd5: {  	v10 =	vld.idx.msk [tilespmem:v3+s7+$0xFFFFFFC0 ss:$0x1], $0xffff  }
0xd6: {  	[tilespmem:s19+$0x10] =	vst.add.f32.msk $0xffff, v5  }
0xd7: {  	[tilespmem:s19+$0x20] =	vst.add.f32.msk $0xffff, v6  }
.Ltmp2:
0xd8: {  	[tilespmem:s19+$0x30] =	vst.add.f32.msk $0xffff, v7;
	(pc) =	sbr.rel @p0 .LBB2_7-.Ltmp2, $4  }
0xd9: {  	[tilespmem:s19+$0x40] =	vst.add.f32.msk $0xffff, v8  }
0xda: {  	[tilespmem:s19+$0x50] =	vst.add.f32.msk $0xffff, v9  }
0xdb: {  	[tilespmem:s19+$0x0] =	vst.add.f32.msk $0xffff, v10  }
0xdc: {  	s7 =	sadd.s32 $0x400, s7;
	[tilespmem:s19+$0x60] =	vst.add.f32.msk $0xffff, v4  }
0xdd: {  	s23 =	sadd.s32 $0x1, s23  }
0xde: {  	p0 =	sne.s32 s23, $0x10  }
.Ltmp3:
0xdf: {  	_ = 	snop;
	(pc) =	sbr.rel @p0 .LBB2_6-.Ltmp3, $2  }
0xe0: {  	_ =	sdelay $0x2  }
0xe1: {  	s22 =	sadd.s32 $0x1, s22;
	s21 =	sadd.s32 $0x400, s21  }
0xe2: {  	s21 =	simm.s32 $0x0;
	s0 =	rddreg [dreg:$0xa]  }
0xe3: {  	[hbm4b:s0+s21] =	stream.linear.scatter [tilespmem:s26], [sflag:$0x8], $0x4000, $0x38;
	[tilespmem:$0x18400] =	vst v63  }
0xe4: {  	_ =	swait.ge [sflag:s15], $0x4000  }
0xe5: {  	[sflag:s15] =	ssyncset.done $0x0  }
0xe6: {  	s2 =	simm.s32 $0x400;
	s7 =	rddreg [dreg:$0xb];
	[sflag:s15] =	ssyncadd.s32 $0xFFFFC000  }
0xe7: {  	[tilespmem:s2], [sflag:$0x1] =	stream.linear.gather [hbm4b:s7+s21], $0x4000, $0x38;
	[tilespmem:$0x18400] =	vst v63  }
0xe8: {  	_ =	swait.ge [sflag:s16], $0x4000  }
0xe9: {  	[sflag:s16] =	ssyncset.done $0x0  }
0xea: {  	[sflag:s16] =	ssyncadd.s32 $0xFFFFC000  }
0xeb: {  	_ =	swait.ge [sflag:s17], $0x4000  }
0xec: {  	[sflag:s17] =	ssyncset.done $0x0  }
0xed: {  	[sflag:s17] =	ssyncadd.s32 $0xFFFFC000  }
0xee: {  	v3 =	vld [tilespmem:$0x40];
	_ =	sdelay $0x4  }
0xef: {  	v4 =	vshll.u32 v3, $0x3  }
0xf0: {  	v3 =	vand.u32 $0x7, v3;
	v4 =	vand.u32 $0xFFFFFFC0, v4  }
0xf1: {  	v3 =	vor.u32 v3, v4  }
0xf2: {  	v4 =	vperm.xlane v3, v0;
	_ =	sdelay $0x1  }
0xf3: {  	v4 =	vadd.s32 v1, v4;
	_ =	sdelay $0x3  }
0xf4: {  	s19 =	simm.s32 $0x10400  }
0xf5: {  	[tilespmem:s19], [sflag:$0x5] =	stream.indirect_vreg.gather [hbm4b:s3+s21], $0x80, v4, vm0, $0xb8;
	[tilespmem:$0x18400] =	vst v63  }
0xf6: {  	s22 =	simm.s32 $0x10C00;
	v3 =	vperm.xlane v3, v2  }
0xf7: {  	[tilespmem:s22], [sflag:$0x5] =	stream.indirect_vreg.gather [hbm4b:s11+s21], $0x80, v4, vm0, $0xb8;
	[tilespmem:$0x18400] =	vst v63  }
0xf8: {  	s23 =	simm.s32 $0x11400;
	v3 =	vadd.s32 v1, v3  }
0xf9: {  	[tilespmem:s23], [sflag:$0x5] =	stream.indirect_vreg.gather [hbm4b:s12+s21], $0x80, v4, vm0, $0xb8;
	[tilespmem:$0x18400] =	vst v63  }
0xfa: {  	s24 =	simm.s32 $0x11C00  }
0xfb: {  	[tilespmem:s24], [sflag:$0x5] =	stream.indirect_vreg.gather [hbm4b:s13+s21], $0x80, v4, vm0, $0xb8;
	[tilespmem:$0x18400] =	vst v63  }
0xfc: {  	s25 =	simm.s32 $0x12400  }
0xfd: {  	[tilespmem:s25], [sflag:$0x5] =	stream.indirect_vreg.gather [hbm4b:s3+s21], $0x80, v3, vm0, $0xb8;
	[tilespmem:$0x18400] =	vst v63  }
0xfe: {  	s29 =	simm.s32 $0x12C00  }
0xff: {  	[tilespmem:s29], [sflag:$0x5] =	stream.indirect_vreg.gather [hbm4b:s11+s21], $0x80, v3, vm0, $0xb8;
	[tilespmem:$0x18400] =	vst v63  }
0x100: {  	s30 =	simm.s32 $0x13400  }
0x101: {  	[tilespmem:s30], [sflag:$0x5] =	stream.indirect_vreg.gather [hbm4b:s12+s21], $0x80, v3, vm0, $0xb8;
	[tilespmem:$0x18400] =	vst v63  }
0x102: {  	s31 =	simm.s32 $0x13C00;
	s22 =	simm.s32 $0x0;
	s23 =	simm.s32 $0x0  }
0x103: {  	[tilespmem:s31], [sflag:$0x5] =	stream.indirect_vreg.gather [hbm4b:s13+s21], $0x80, v3, vm0, $0xb8;
	[tilespmem:$0x18400] =	vst v63  }
.LBB2_10:
0x104: {  	s0 =	sand.u32 $0x7, s22  }
0x105: {  	s0 =	sshll.u32 s0, $0x9  }
0x106: {  	s24 =	sshrl.u32 s0, $0x2  }
0x107: {  	v3 =	vmov s24;
	_ =	sdelay $0x2  }
0x108: {  	s31 =	sand.u32 $0x3FFFE000, s21  }
0x109: {  	s7 =	sadd.s32 $0x14440, s31  }
0x10a: {  	v4 =	vld.idx.msk [tilespmem:v3+s7+$0x30 ss:$0x1], $0xffff  }
0x10b: {  	v5 =	vld.idx.msk [tilespmem:v3+s7+$0xFFFFFFD0 ss:$0x1], $0xffff  }
0x10c: {  	v6 =	vld.idx.msk [tilespmem:v3+s7+$0xFFFFFFE0 ss:$0x1], $0xffff  }
0x10d: {  	v7 =	vld.idx.msk [tilespmem:v3+s7+$0xFFFFFFF0 ss:$0x1], $0xffff  }
0x10e: {  	v8 =	vld.idx.msk [tilespmem:v3+s7+$0x0 ss:$0x1], $0xffff  }
0x10f: {  	s2 =	sadd.s32 $0x8400, s31;
	v9 =	vld.idx.msk [tilespmem:v3+s7+$0x10 ss:$0x1], $0xffff  }
0x110: {  	s19 =	sadd.s32 s24, s2;
	v10 =	vld.idx.msk [tilespmem:v3+s7+$0xFFFFFFC0 ss:$0x1], $0xffff  }
0x111: {  	[tilespmem:s19+$0x70] =	vst.add.f32.msk $0xffff, v4  }
0x112: {  	v4 =	vld.idx.msk [tilespmem:v3+s7+$0x20 ss:$0x1], $0xffff  }
0x113: {  	[tilespmem:s19+$0x10] =	vst.add.f32.msk $0xffff, v5  }
0x114: {  	[tilespmem:s19+$0x20] =	vst.add.f32.msk $0xffff, v6  }
0x115: {  	[tilespmem:s19+$0x30] =	vst.add.f32.msk $0xffff, v7  }
0x116: {  	[tilespmem:s19+$0x40] =	vst.add.f32.msk $0xffff, v8  }
0x117: {  	[tilespmem:s19+$0x50] =	vst.add.f32.msk $0xffff, v9  }
0x118: {  	[tilespmem:s19+$0x0] =	vst.add.f32.msk $0xffff, v10  }
0x119: {  	s0 =	simm.s32 $0x0;
	s7 =	sadd.s32 $0x400, s7;
	[tilespmem:s19+$0x60] =	vst.add.f32.msk $0xffff, v4  }
.LBB2_11:
0x11a: {  	v4 =	vld.idx.msk [tilespmem:v3+s7+$0x30 ss:$0x1], $0xffff;
	s0 =	sadd.s32 $0x8, s0  }
0x11b: {  	v5 =	vld.idx.msk [tilespmem:v3+s7+$0xFFFFFFD0 ss:$0x1], $0xffff;
	p0 =	slt.u32 s0, $0x38  }
0x11c: {  	v6 =	vld.idx.msk [tilespmem:v3+s7+$0xFFFFFFE0 ss:$0x1], $0xffff  }
0x11d: {  	v7 =	vld.idx.msk [tilespmem:v3+s7+$0xFFFFFFF0 ss:$0x1], $0xffff  }
0x11e: {  	s2 =	sadd.s32 $0x400, s2;
	v8 =	vld.idx.msk [tilespmem:v3+s7+$0x0 ss:$0x1], $0xffff  }
0x11f: {  	s19 =	sadd.s32 s24, s2;
	v9 =	vld.idx.msk [tilespmem:v3+s7+$0x10 ss:$0x1], $0xffff  }
0x120: {  	[tilespmem:s19+$0x70] =	vst.add.f32.msk $0xffff, v4  }
0x121: {  	v4 =	vld.idx.msk [tilespmem:v3+s7+$0x20 ss:$0x1], $0xffff  }
0x122: {  	v10 =	vld.idx.msk [tilespmem:v3+s7+$0xFFFFFFC0 ss:$0x1], $0xffff  }
0x123: {  	[tilespmem:s19+$0x10] =	vst.add.f32.msk $0xffff, v5  }
0x124: {  	[tilespmem:s19+$0x20] =	vst.add.f32.msk $0xffff, v6  }
.Ltmp4:
0x125: {  	[tilespmem:s19+$0x30] =	vst.add.f32.msk $0xffff, v7;
	(pc) =	sbr.rel @p0 .LBB2_11-.Ltmp4, $4  }
0x126: {  	[tilespmem:s19+$0x40] =	vst.add.f32.msk $0xffff, v8  }
0x127: {  	[tilespmem:s19+$0x50] =	vst.add.f32.msk $0xffff, v9  }
0x128: {  	[tilespmem:s19+$0x0] =	vst.add.f32.msk $0xffff, v10  }
0x129: {  	s7 =	sadd.s32 $0x400, s7;
	[tilespmem:s19+$0x60] =	vst.add.f32.msk $0xffff, v4  }
0x12a: {  	s23 =	sadd.s32 $0x1, s23  }
0x12b: {  	p0 =	sne.s32 s23, $0x10  }
.Ltmp5:
0x12c: {  	_ = 	snop;
	(pc) =	sbr.rel @p0 .LBB2_10-.Ltmp5, $2  }
0x12d: {  	_ =	sdelay $0x2  }
0x12e: {  	s22 =	sadd.s32 $0x1, s22;
	s21 =	sadd.s32 $0x400, s21  }
0x12f: {  	s0 =	rddreg [dreg:$0xc]  }
0x130: {  	[hbm4b:s0+s5] =	stream.linear.scatter [tilespmem:s28], [sflag:$0x9], $0x4000, $0x38;
	[tilespmem:$0x18400] =	vst v63  }
0x131: {  	_ =	swait.ge [sflag:s18], $0x4000  }
0x132: {  	[sflag:s18] =	ssyncset.done $0x0  }
0x133: {  	s21 =	simm.s32 $0x1;
	s31 =	rddreg [dreg:$0xd];
	[sflag:s18] =	ssyncadd.s32 $0xFFFFC000  }
0x134: {  	[tilespmem:s26], [sflag:$0x2] =	stream.linear.gather [hbm4b:s31+s5], $0x4000, $0x38;
	[tilespmem:$0x18400] =	vst v63  }
.LBB2_14:
0x135: {  	_ =	swait.ge [sflag:s8], $0x4000  }
0x136: {  	[sflag:s8] =	ssyncset.done $0x0  }
0x137: {  	[sflag:s8] =	ssyncadd.s32 $0xFFFFC000  }
0x138: {  	_ =	swait.ge [sflag:s9], $0x4000  }
0x139: {  	s22 =	smul.u32 $0x30, s21;
	[sflag:s9] =	ssyncset.done $0x0  }
0x13a: {  	[sflag:s9] =	ssyncadd.s32 $0xFFFFC000  }
0x13b: {  	v3 =	vld [tilespmem:s22+$0x20];
	_ =	sdelay $0x4  }
0x13c: {  	v4 =	vshll.u32 v3, $0x3  }
0x13d: {  	v3 =	vand.u32 $0x7, v3;
	v4 =	vand.u32 $0xFFFFFFC0, v4  }
0x13e: {  	v3 =	vor.u32 v3, v4  }
0x13f: {  	v4 =	vperm.xlane v3, v0;
	_ =	sdelay $0x1  }
0x140: {  	v4 =	vadd.s32 v1, v4;
	_ =	sdelay $0x3  }
0x141: {  	s23 =	simm.s32 $0x0;
	s0 =	simm.s32 $0x14400  }
0x142: {  	[tilespmem:s0], [sflag:$0x6] =	stream.indirect_vreg.gather [hbm4b:s3+s23], $0x80, v4, vm0, $0xb8;
	[tilespmem:$0x18400] =	vst v63  }
0x143: {  	s31 =	simm.s32 $0x14C00;
	v3 =	vperm.xlane v3, v2  }
0x144: {  	[tilespmem:s31], [sflag:$0x6] =	stream.indirect_vreg.gather [hbm4b:s11+s23], $0x80, v4, vm0, $0xb8;
	[tilespmem:$0x18400] =	vst v63  }
0x145: {  	s2 =	simm.s32 $0x15400;
	v3 =	vadd.s32 v1, v3  }
0x146: {  	[tilespmem:s2], [sflag:$0x6] =	stream.indirect_vreg.gather [hbm4b:s12+s23], $0x80, v4, vm0, $0xb8;
	[tilespmem:$0x18400] =	vst v63  }
0x147: {  	s7 =	simm.s32 $0x15C00  }
0x148: {  	[tilespmem:s7], [sflag:$0x6] =	stream.indirect_vreg.gather [hbm4b:s13+s23], $0x80, v4, vm0, $0xb8;
	[tilespmem:$0x18400] =	vst v63  }
0x149: {  	s19 =	simm.s32 $0x16400  }
0x14a: {  	[tilespmem:s19], [sflag:$0x6] =	stream.indirect_vreg.gather [hbm4b:s3+s23], $0x80, v3, vm0, $0xb8;
	[tilespmem:$0x18400] =	vst v63  }
0x14b: {  	s24 =	simm.s32 $0x16C00  }
0x14c: {  	[tilespmem:s24], [sflag:$0x6] =	stream.indirect_vreg.gather [hbm4b:s11+s23], $0x80, v3, vm0, $0xb8;
	[tilespmem:$0x18400] =	vst v63  }
0x14d: {  	s25 =	simm.s32 $0x17400;
	s30 =	simm.s32 $0x0  }
0x14e: {  	[tilespmem:s25], [sflag:$0x6] =	stream.indirect_vreg.gather [hbm4b:s12+s23], $0x80, v3, vm0, $0xb8;
	[tilespmem:$0x18400] =	vst v63  }
0x14f: {  	s29 =	sadd.s32 $0x20, s22;
	s31 =	simm.s32 $0x17C00;
	s24 =	simm.s32 $0x0  }
0x150: {  	[tilespmem:s31], [sflag:$0x6] =	stream.indirect_vreg.gather [hbm4b:s13+s23], $0x80, v3, vm0, $0xb8;
	[tilespmem:$0x18400] =	vst v63  }
.LBB2_15:
0x151: {  	s0 =	sand.u32 $0x7, s24  }
0x152: {  	s0 =	sshll.u32 s0, $0x9  }
0x153: {  	s31 =	sshrl.u32 s0, $0x2  }
0x154: {  	v3 =	vmov s31;
	_ =	sdelay $0x2  }
0x155: {  	s25 =	sand.u32 $0x3FFFE000, s23  }
0x156: {  	s7 =	sadd.s32 $0xC440, s25  }
0x157: {  	v4 =	vld.idx.msk [tilespmem:v3+s7+$0x30 ss:$0x1], $0xffff  }
0x158: {  	v5 =	vld.idx.msk [tilespmem:v3+s7+$0xFFFFFFD0 ss:$0x1], $0xffff  }
0x159: {  	v6 =	vld.idx.msk [tilespmem:v3+s7+$0xFFFFFFE0 ss:$0x1], $0xffff  }
0x15a: {  	v7 =	vld.idx.msk [tilespmem:v3+s7+$0xFFFFFFF0 ss:$0x1], $0xffff  }
0x15b: {  	v8 =	vld.idx.msk [tilespmem:v3+s7+$0x0 ss:$0x1], $0xffff  }
0x15c: {  	s2 =	sor.u32 $0x400, s25;
	v9 =	vld.idx.msk [tilespmem:v3+s7+$0x10 ss:$0x1], $0xffff  }
0x15d: {  	s19 =	sadd.s32 s31, s2;
	v10 =	vld.idx.msk [tilespmem:v3+s7+$0xFFFFFFC0 ss:$0x1], $0xffff  }
0x15e: {  	[tilespmem:s19+$0x70] =	vst.add.f32.msk $0xffff, v4  }
0x15f: {  	v4 =	vld.idx.msk [tilespmem:v3+s7+$0x20 ss:$0x1], $0xffff  }
0x160: {  	[tilespmem:s19+$0x10] =	vst.add.f32.msk $0xffff, v5  }
0x161: {  	[tilespmem:s19+$0x20] =	vst.add.f32.msk $0xffff, v6  }
0x162: {  	[tilespmem:s19+$0x30] =	vst.add.f32.msk $0xffff, v7  }
0x163: {  	[tilespmem:s19+$0x40] =	vst.add.f32.msk $0xffff, v8  }
0x164: {  	[tilespmem:s19+$0x50] =	vst.add.f32.msk $0xffff, v9  }
0x165: {  	[tilespmem:s19+$0x0] =	vst.add.f32.msk $0xffff, v10  }
0x166: {  	s0 =	simm.s32 $0x0;
	s7 =	sadd.s32 $0x400, s7;
	[tilespmem:s19+$0x60] =	vst.add.f32.msk $0xffff, v4  }
.LBB2_16:
0x167: {  	v4 =	vld.idx.msk [tilespmem:v3+s7+$0x30 ss:$0x1], $0xffff;
	s0 =	sadd.s32 $0x8, s0  }
0x168: {  	v5 =	vld.idx.msk [tilespmem:v3+s7+$0xFFFFFFD0 ss:$0x1], $0xffff;
	p0 =	slt.u32 s0, $0x38  }
0x169: {  	v6 =	vld.idx.msk [tilespmem:v3+s7+$0xFFFFFFE0 ss:$0x1], $0xffff  }
0x16a: {  	v7 =	vld.idx.msk [tilespmem:v3+s7+$0xFFFFFFF0 ss:$0x1], $0xffff  }
0x16b: {  	s2 =	sadd.s32 $0x400, s2;
	v8 =	vld.idx.msk [tilespmem:v3+s7+$0x0 ss:$0x1], $0xffff  }
0x16c: {  	s19 =	sadd.s32 s31, s2;
	v9 =	vld.idx.msk [tilespmem:v3+s7+$0x10 ss:$0x1], $0xffff  }
0x16d: {  	[tilespmem:s19+$0x70] =	vst.add.f32.msk $0xffff, v4  }
0x16e: {  	v4 =	vld.idx.msk [tilespmem:v3+s7+$0x20 ss:$0x1], $0xffff  }
0x16f: {  	v10 =	vld.idx.msk [tilespmem:v3+s7+$0xFFFFFFC0 ss:$0x1], $0xffff  }
0x170: {  	[tilespmem:s19+$0x10] =	vst.add.f32.msk $0xffff, v5  }
0x171: {  	[tilespmem:s19+$0x20] =	vst.add.f32.msk $0xffff, v6  }
.Ltmp6:
0x172: {  	[tilespmem:s19+$0x30] =	vst.add.f32.msk $0xffff, v7;
	(pc) =	sbr.rel @p0 .LBB2_16-.Ltmp6, $4  }
0x173: {  	[tilespmem:s19+$0x40] =	vst.add.f32.msk $0xffff, v8  }
0x174: {  	[tilespmem:s19+$0x50] =	vst.add.f32.msk $0xffff, v9  }
0x175: {  	[tilespmem:s19+$0x0] =	vst.add.f32.msk $0xffff, v10  }
0x176: {  	s7 =	sadd.s32 $0x400, s7;
	[tilespmem:s19+$0x60] =	vst.add.f32.msk $0xffff, v4  }
0x177: {  	s30 =	sadd.s32 $0x1, s30  }
0x178: {  	p0 =	sne.s32 s30, $0x10  }
.Ltmp7:
0x179: {  	_ = 	snop;
	(pc) =	sbr.rel @p0 .LBB2_15-.Ltmp7, $2  }
0x17a: {  	_ =	sdelay $0x2  }
0x17b: {  	s24 =	sadd.s32 $0x1, s24;
	s23 =	sadd.s32 $0x400, s23  }
0x17c: {  	s0 =	sadd.s32 s6, s22  }
0x17d: {  	s0 =	sshll.u32 s0, $0x7  }
0x17e: {  	s24 =	simm.s32 $0x0;
	s2 =	simm.s32 $0x400;
	s0 =	sadd.s32 s4, s0  }
0x17f: {  	[hbm4b:s0+s24] =	stream.linear.scatter [tilespmem:s2], [sflag:$0x7], $0x4000, $0x38;
	[tilespmem:$0x18400] =	vst v63  }
0x180: {  	s25 =	sadd.s32 s6, s29;
	_ =	swait.ge [sflag:s20], $0x4000  }
0x181: {  	s23 =	sshll.u32 s25, $0x7;
	[sflag:s20] =	ssyncset.done $0x0  }
0x182: {  	s0 =	sadd.s32 s1, s23;
	[sflag:s20] =	ssyncadd.s32 $0xFFFFC000  }
0x183: {  	[tilespmem:s28], [sflag:$0x3] =	stream.linear.gather [hbm4b:s0+s24], $0x4000, $0x38;
	[tilespmem:$0x18400] =	vst v63  }
0x184: {  	_ =	swait.ge [sflag:s10], $0x4000  }
0x185: {  	[sflag:s10] =	ssyncset.done $0x0  }
0x186: {  	[sflag:s10] =	ssyncadd.s32 $0xFFFFC000  }
0x187: {  	_ =	swait.ge [sflag:s14], $0x4000  }
0x188: {  	[sflag:s14] =	ssyncset.done $0x0  }
0x189: {  	[sflag:s14] =	ssyncadd.s32 $0xFFFFC000  }
0x18a: {  	v3 =	vld [tilespmem:s22+$0x30];
	_ =	sdelay $0x4  }
0x18b: {  	v4 =	vshll.u32 v3, $0x3  }
0x18c: {  	v3 =	vand.u32 $0x7, v3;
	v4 =	vand.u32 $0xFFFFFFC0, v4  }
0x18d: {  	v3 =	vor.u32 v3, v4  }
0x18e: {  	v4 =	vperm.xlane v3, v0;
	_ =	sdelay $0x1  }
0x18f: {  	v4 =	vadd.s32 v1, v4;
	_ =	sdelay $0x3  }
0x190: {  	s2 =	simm.s32 $0xC400  }
0x191: {  	[tilespmem:s2], [sflag:$0x4] =	stream.indirect_vreg.gather [hbm4b:s3+s24], $0x80, v4, vm0, $0xb8;
	[tilespmem:$0x18400] =	vst v63  }
0x192: {  	s7 =	simm.s32 $0xCC00;
	v3 =	vperm.xlane v3, v2  }
0x193: {  	[tilespmem:s7], [sflag:$0x4] =	stream.indirect_vreg.gather [hbm4b:s11+s24], $0x80, v4, vm0, $0xb8;
	[tilespmem:$0x18400] =	vst v63  }
0x194: {  	s19 =	simm.s32 $0xD400;
	v3 =	vadd.s32 v1, v3  }
0x195: {  	[tilespmem:s19], [sflag:$0x4] =	stream.indirect_vreg.gather [hbm4b:s12+s24], $0x80, v4, vm0, $0xb8;
	[tilespmem:$0x18400] =	vst v63  }
0x196: {  	s25 =	simm.s32 $0xDC00  }
0x197: {  	[tilespmem:s25], [sflag:$0x4] =	stream.indirect_vreg.gather [hbm4b:s13+s24], $0x80, v4, vm0, $0xb8;
	[tilespmem:$0x18400] =	vst v63  }
0x198: {  	s2 =	simm.s32 $0xE400  }
0x199: {  	[tilespmem:s2], [sflag:$0x4] =	stream.indirect_vreg.gather [hbm4b:s3+s24], $0x80, v3, vm0, $0xb8;
	[tilespmem:$0x18400] =	vst v63  }
0x19a: {  	s7 =	simm.s32 $0xEC00  }
0x19b: {  	[tilespmem:s7], [sflag:$0x4] =	stream.indirect_vreg.gather [hbm4b:s11+s24], $0x80, v3, vm0, $0xb8;
	[tilespmem:$0x18400] =	vst v63  }
0x19c: {  	s29 =	sadd.s32 $0x30, s22;
	s19 =	simm.s32 $0xF400  }
0x19d: {  	[tilespmem:s19], [sflag:$0x4] =	stream.indirect_vreg.gather [hbm4b:s12+s24], $0x80, v3, vm0, $0xb8;
	[tilespmem:$0x18400] =	vst v63  }
0x19e: {  	s30 =	simm.s32 $0x0;
	s31 =	simm.s32 $0x0;
	s25 =	simm.s32 $0xFC00  }
0x19f: {  	[tilespmem:s25], [sflag:$0x4] =	stream.indirect_vreg.gather [hbm4b:s13+s24], $0x80, v3, vm0, $0xb8;
	[tilespmem:$0x18400] =	vst v63  }
.LBB2_19:
0x1a0: {  	s0 =	sand.u32 $0x7, s30  }
0x1a1: {  	s0 =	sshll.u32 s0, $0x9  }
0x1a2: {  	s2 =	sshrl.u32 s0, $0x2  }
0x1a3: {  	v3 =	vmov s2;
	_ =	sdelay $0x2  }
0x1a4: {  	s25 =	sand.u32 $0x3FFFE000, s24  }
0x1a5: {  	s19 =	sadd.s32 $0x10440, s25  }
0x1a6: {  	v4 =	vld.idx.msk [tilespmem:v3+s19+$0x30 ss:$0x1], $0xffff  }
0x1a7: {  	v5 =	vld.idx.msk [tilespmem:v3+s19+$0xFFFFFFD0 ss:$0x1], $0xffff  }
0x1a8: {  	v6 =	vld.idx.msk [tilespmem:v3+s19+$0xFFFFFFE0 ss:$0x1], $0xffff  }
0x1a9: {  	v7 =	vld.idx.msk [tilespmem:v3+s19+$0xFFFFFFF0 ss:$0x1], $0xffff  }
0x1aa: {  	v8 =	vld.idx.msk [tilespmem:v3+s19+$0x0 ss:$0x1], $0xffff  }
0x1ab: {  	s0 =	sadd.s32 $0x4400, s25;
	v9 =	vld.idx.msk [tilespmem:v3+s19+$0x10 ss:$0x1], $0xffff  }
0x1ac: {  	s25 =	sadd.s32 s2, s0;
	v10 =	vld.idx.msk [tilespmem:v3+s19+$0xFFFFFFC0 ss:$0x1], $0xffff  }
0x1ad: {  	[tilespmem:s25+$0x70] =	vst.add.f32.msk $0xffff, v4  }
0x1ae: {  	v4 =	vld.idx.msk [tilespmem:v3+s19+$0x20 ss:$0x1], $0xffff  }
0x1af: {  	[tilespmem:s25+$0x10] =	vst.add.f32.msk $0xffff, v5  }
0x1b0: {  	[tilespmem:s25+$0x20] =	vst.add.f32.msk $0xffff, v6  }
0x1b1: {  	[tilespmem:s25+$0x30] =	vst.add.f32.msk $0xffff, v7  }
0x1b2: {  	[tilespmem:s25+$0x40] =	vst.add.f32.msk $0xffff, v8  }
0x1b3: {  	[tilespmem:s25+$0x50] =	vst.add.f32.msk $0xffff, v9  }
0x1b4: {  	[tilespmem:s25+$0x0] =	vst.add.f32.msk $0xffff, v10  }
0x1b5: {  	s7 =	simm.s32 $0x0;
	s19 =	sadd.s32 $0x400, s19;
	[tilespmem:s25+$0x60] =	vst.add.f32.msk $0xffff, v4  }
.LBB2_20:
0x1b6: {  	v4 =	vld.idx.msk [tilespmem:v3+s19+$0x30 ss:$0x1], $0xffff;
	s7 =	sadd.s32 $0x8, s7  }
0x1b7: {  	v5 =	vld.idx.msk [tilespmem:v3+s19+$0xFFFFFFD0 ss:$0x1], $0xffff;
	p0 =	slt.u32 s7, $0x38  }
0x1b8: {  	v6 =	vld.idx.msk [tilespmem:v3+s19+$0xFFFFFFE0 ss:$0x1], $0xffff  }
0x1b9: {  	v7 =	vld.idx.msk [tilespmem:v3+s19+$0xFFFFFFF0 ss:$0x1], $0xffff  }
0x1ba: {  	s0 =	sadd.s32 $0x400, s0;
	v8 =	vld.idx.msk [tilespmem:v3+s19+$0x0 ss:$0x1], $0xffff  }
0x1bb: {  	s25 =	sadd.s32 s2, s0;
	v9 =	vld.idx.msk [tilespmem:v3+s19+$0x10 ss:$0x1], $0xffff  }
0x1bc: {  	[tilespmem:s25+$0x70] =	vst.add.f32.msk $0xffff, v4  }
0x1bd: {  	v4 =	vld.idx.msk [tilespmem:v3+s19+$0x20 ss:$0x1], $0xffff  }
0x1be: {  	v10 =	vld.idx.msk [tilespmem:v3+s19+$0xFFFFFFC0 ss:$0x1], $0xffff  }
0x1bf: {  	[tilespmem:s25+$0x10] =	vst.add.f32.msk $0xffff, v5  }
0x1c0: {  	[tilespmem:s25+$0x20] =	vst.add.f32.msk $0xffff, v6  }
.Ltmp8:
0x1c1: {  	[tilespmem:s25+$0x30] =	vst.add.f32.msk $0xffff, v7;
	(pc) =	sbr.rel @p0 .LBB2_20-.Ltmp8, $4  }
0x1c2: {  	[tilespmem:s25+$0x40] =	vst.add.f32.msk $0xffff, v8  }
0x1c3: {  	[tilespmem:s25+$0x50] =	vst.add.f32.msk $0xffff, v9  }
0x1c4: {  	[tilespmem:s25+$0x0] =	vst.add.f32.msk $0xffff, v10  }
0x1c5: {  	s19 =	sadd.s32 $0x400, s19;
	[tilespmem:s25+$0x60] =	vst.add.f32.msk $0xffff, v4  }
0x1c6: {  	s31 =	sadd.s32 $0x1, s31  }
0x1c7: {  	p0 =	sne.s32 s31, $0x10  }
.Ltmp9:
0x1c8: {  	_ = 	snop;
	(pc) =	sbr.rel @p0 .LBB2_19-.Ltmp9, $2  }
0x1c9: {  	_ =	sdelay $0x2  }
0x1ca: {  	s30 =	sadd.s32 $0x1, s30;
	s24 =	sadd.s32 $0x400, s24  }
0x1cb: {  	s0 =	rddreg [dreg:$0xe]  }
0x1cc: {  	s0 =	sadd.s32 s22, s0  }
0x1cd: {  	s0 =	sshll.u32 s0, $0x7  }
0x1ce: {  	s24 =	simm.s32 $0x0;
	s0 =	sadd.s32 s4, s0  }
0x1cf: {  	[hbm4b:s0+s24] =	stream.linear.scatter [tilespmem:s26], [sflag:$0x8], $0x4000, $0x38;
	[tilespmem:$0x18400] =	vst v63  }
0x1d0: {  	s7 =	sadd.s32 s6, s29;
	_ =	swait.ge [sflag:s15], $0x4000  }
0x1d1: {  	s0 =	sshll.u32 s7, $0x7;
	[sflag:s15] =	ssyncset.done $0x0  }
0x1d2: {  	s2 =	simm.s32 $0x400;
	s0 =	sadd.s32 s1, s0;
	[sflag:s15] =	ssyncadd.s32 $0xFFFFC000  }
0x1d3: {  	[tilespmem:s2], [sflag:$0x1] =	stream.linear.gather [hbm4b:s0+s24], $0x4000, $0x38;
	[tilespmem:$0x18400] =	vst v63  }
0x1d4: {  	_ =	swait.ge [sflag:s16], $0x4000  }
0x1d5: {  	[sflag:s16] =	ssyncset.done $0x0  }
0x1d6: {  	[sflag:s16] =	ssyncadd.s32 $0xFFFFC000  }
0x1d7: {  	_ =	swait.ge [sflag:s17], $0x4000  }
0x1d8: {  	[sflag:s17] =	ssyncset.done $0x0  }
0x1d9: {  	[sflag:s17] =	ssyncadd.s32 $0xFFFFC000  }
0x1da: {  	v3 =	vld [tilespmem:s22+$0x40];
	_ =	sdelay $0x4  }
0x1db: {  	v4 =	vshll.u32 v3, $0x3  }
0x1dc: {  	v3 =	vand.u32 $0x7, v3;
	v4 =	vand.u32 $0xFFFFFFC0, v4  }
0x1dd: {  	v3 =	vor.u32 v3, v4  }
0x1de: {  	v4 =	vperm.xlane v3, v0;
	_ =	sdelay $0x1  }
0x1df: {  	v4 =	vadd.s32 v1, v4;
	_ =	sdelay $0x3  }
0x1e0: {  	s19 =	simm.s32 $0x10400  }
0x1e1: {  	[tilespmem:s19], [sflag:$0x5] =	stream.indirect_vreg.gather [hbm4b:s3+s24], $0x80, v4, vm0, $0xb8;
	[tilespmem:$0x18400] =	vst v63  }
0x1e2: {  	s25 =	simm.s32 $0x10C00;
	v3 =	vperm.xlane v3, v2  }
0x1e3: {  	[tilespmem:s25], [sflag:$0x5] =	stream.indirect_vreg.gather [hbm4b:s11+s24], $0x80, v4, vm0, $0xb8;
	[tilespmem:$0x18400] =	vst v63  }
0x1e4: {  	s31 =	simm.s32 $0x11400;
	v3 =	vadd.s32 v1, v3  }
0x1e5: {  	[tilespmem:s31], [sflag:$0x5] =	stream.indirect_vreg.gather [hbm4b:s12+s24], $0x80, v4, vm0, $0xb8;
	[tilespmem:$0x18400] =	vst v63  }
0x1e6: {  	s2 =	simm.s32 $0x11C00  }
0x1e7: {  	[tilespmem:s2], [sflag:$0x5] =	stream.indirect_vreg.gather [hbm4b:s13+s24], $0x80, v4, vm0, $0xb8;
	[tilespmem:$0x18400] =	vst v63  }
0x1e8: {  	s7 =	simm.s32 $0x12400  }
0x1e9: {  	[tilespmem:s7], [sflag:$0x5] =	stream.indirect_vreg.gather [hbm4b:s3+s24], $0x80, v3, vm0, $0xb8;
	[tilespmem:$0x18400] =	vst v63  }
0x1ea: {  	s19 =	simm.s32 $0x12C00  }
0x1eb: {  	[tilespmem:s19], [sflag:$0x5] =	stream.indirect_vreg.gather [hbm4b:s11+s24], $0x80, v3, vm0, $0xb8;
	[tilespmem:$0x18400] =	vst v63  }
0x1ec: {  	s29 =	simm.s32 $0x0;
	s25 =	simm.s32 $0x13400  }
0x1ed: {  	[tilespmem:s25], [sflag:$0x5] =	stream.indirect_vreg.gather [hbm4b:s12+s24], $0x80, v3, vm0, $0xb8;
	[tilespmem:$0x18400] =	vst v63  }
0x1ee: {  	s30 =	simm.s32 $0x0;
	s22 =	sadd.s32 $0x40, s22;
	s31 =	simm.s32 $0x13C00  }
0x1ef: {  	[tilespmem:s31], [sflag:$0x5] =	stream.indirect_vreg.gather [hbm4b:s13+s24], $0x80, v3, vm0, $0xb8;
	[tilespmem:$0x18400] =	vst v63  }
.LBB2_23:
0x1f0: {  	s0 =	sand.u32 $0x7, s29  }
0x1f1: {  	s0 =	sshll.u32 s0, $0x9  }
0x1f2: {  	s2 =	sshrl.u32 s0, $0x2  }
0x1f3: {  	v3 =	vmov s2;
	_ =	sdelay $0x2  }
0x1f4: {  	s31 =	sand.u32 $0x3FFFE000, s24  }
0x1f5: {  	s19 =	sadd.s32 $0x14440, s31  }
0x1f6: {  	v4 =	vld.idx.msk [tilespmem:v3+s19+$0x30 ss:$0x1], $0xffff  }
0x1f7: {  	v5 =	vld.idx.msk [tilespmem:v3+s19+$0xFFFFFFD0 ss:$0x1], $0xffff  }
0x1f8: {  	v6 =	vld.idx.msk [tilespmem:v3+s19+$0xFFFFFFE0 ss:$0x1], $0xffff  }
0x1f9: {  	v7 =	vld.idx.msk [tilespmem:v3+s19+$0xFFFFFFF0 ss:$0x1], $0xffff  }
0x1fa: {  	v8 =	vld.idx.msk [tilespmem:v3+s19+$0x0 ss:$0x1], $0xffff  }
0x1fb: {  	s0 =	sadd.s32 $0x8400, s31;
	v9 =	vld.idx.msk [tilespmem:v3+s19+$0x10 ss:$0x1], $0xffff  }
0x1fc: {  	s25 =	sadd.s32 s2, s0;
	v10 =	vld.idx.msk [tilespmem:v3+s19+$0xFFFFFFC0 ss:$0x1], $0xffff  }
0x1fd: {  	[tilespmem:s25+$0x70] =	vst.add.f32.msk $0xffff, v4  }
0x1fe: {  	v4 =	vld.idx.msk [tilespmem:v3+s19+$0x20 ss:$0x1], $0xffff  }
0x1ff: {  	[tilespmem:s25+$0x10] =	vst.add.f32.msk $0xffff, v5  }
0x200: {  	[tilespmem:s25+$0x20] =	vst.add.f32.msk $0xffff, v6  }
0x201: {  	[tilespmem:s25+$0x30] =	vst.add.f32.msk $0xffff, v7  }
0x202: {  	[tilespmem:s25+$0x40] =	vst.add.f32.msk $0xffff, v8  }
0x203: {  	[tilespmem:s25+$0x50] =	vst.add.f32.msk $0xffff, v9  }
0x204: {  	[tilespmem:s25+$0x0] =	vst.add.f32.msk $0xffff, v10  }
0x205: {  	s7 =	simm.s32 $0x0;
	s19 =	sadd.s32 $0x400, s19;
	[tilespmem:s25+$0x60] =	vst.add.f32.msk $0xffff, v4  }
.LBB2_24:
0x206: {  	v4 =	vld.idx.msk [tilespmem:v3+s19+$0x30 ss:$0x1], $0xffff;
	s7 =	sadd.s32 $0x8, s7  }
0x207: {  	v5 =	vld.idx.msk [tilespmem:v3+s19+$0xFFFFFFD0 ss:$0x1], $0xffff;
	p0 =	slt.u32 s7, $0x38  }
0x208: {  	v6 =	vld.idx.msk [tilespmem:v3+s19+$0xFFFFFFE0 ss:$0x1], $0xffff  }
0x209: {  	v7 =	vld.idx.msk [tilespmem:v3+s19+$0xFFFFFFF0 ss:$0x1], $0xffff  }
0x20a: {  	s0 =	sadd.s32 $0x400, s0;
	v8 =	vld.idx.msk [tilespmem:v3+s19+$0x0 ss:$0x1], $0xffff  }
0x20b: {  	s25 =	sadd.s32 s2, s0;
	v9 =	vld.idx.msk [tilespmem:v3+s19+$0x10 ss:$0x1], $0xffff  }
0x20c: {  	[tilespmem:s25+$0x70] =	vst.add.f32.msk $0xffff, v4  }
0x20d: {  	v4 =	vld.idx.msk [tilespmem:v3+s19+$0x20 ss:$0x1], $0xffff  }
0x20e: {  	v10 =	vld.idx.msk [tilespmem:v3+s19+$0xFFFFFFC0 ss:$0x1], $0xffff  }
0x20f: {  	[tilespmem:s25+$0x10] =	vst.add.f32.msk $0xffff, v5  }
0x210: {  	[tilespmem:s25+$0x20] =	vst.add.f32.msk $0xffff, v6  }
.Ltmp10:
0x211: {  	[tilespmem:s25+$0x30] =	vst.add.f32.msk $0xffff, v7;
	(pc) =	sbr.rel @p0 .LBB2_24-.Ltmp10, $4  }
0x212: {  	[tilespmem:s25+$0x40] =	vst.add.f32.msk $0xffff, v8  }
0x213: {  	[tilespmem:s25+$0x50] =	vst.add.f32.msk $0xffff, v9  }
0x214: {  	[tilespmem:s25+$0x0] =	vst.add.f32.msk $0xffff, v10  }
0x215: {  	s19 =	sadd.s32 $0x400, s19;
	[tilespmem:s25+$0x60] =	vst.add.f32.msk $0xffff, v4  }
0x216: {  	s30 =	sadd.s32 $0x1, s30  }
0x217: {  	p0 =	sne.s32 s30, $0x10  }
.Ltmp11:
0x218: {  	_ = 	snop;
	(pc) =	sbr.rel @p0 .LBB2_23-.Ltmp11, $2  }
0x219: {  	_ =	sdelay $0x2  }
0x21a: {  	s29 =	sadd.s32 $0x1, s29;
	s24 =	sadd.s32 $0x400, s24  }
0x21b: {  	s0 =	sadd.s32 s4, s23;
	s21 =	sadd.s32 $0x1, s21  }
0x21c: {  	[hbm4b:s0+s5] =	stream.linear.scatter [tilespmem:s28], [sflag:$0x9], $0x4000, $0x38;
	[tilespmem:$0x18400] =	vst v63  }
0x21d: {  	p0 =	sne.s32 s21, $0x14  }
.Ltmp12:
0x21e: {  	_ = 	snop;
	(pc) =	sbr.rel @p0 .LBB2_14-.Ltmp12, $4  }
0x21f: {  	s31 =	sadd.s32 s6, s22;
	_ =	swait.ge [sflag:s18], $0x4000  }
0x220: {  	s0 =	sshll.u32 s31, $0x7;
	[sflag:s18] =	ssyncset.done $0x0  }
0x221: {  	s0 =	sadd.s32 s1, s0;
	[sflag:s18] =	ssyncadd.s32 $0xFFFFC000  }
0x222: {  	[tilespmem:s26], [sflag:$0x2] =	stream.linear.gather [hbm4b:s0+s5], $0x4000, $0x38;
	[tilespmem:$0x18400] =	vst v63  }
0x223: {  	_ =	swait.ge [sflag:s8], $0x4000  }
0x224: {  	[sflag:s8] =	ssyncset.done $0x0  }
0x225: {  	[sflag:s8] =	ssyncadd.s32 $0xFFFFC000  }
0x226: {  	_ =	swait.ge [sflag:s9], $0x4000  }
0x227: {  	[sflag:s9] =	ssyncset.done $0x0  }
0x228: {  	[sflag:s9] =	ssyncadd.s32 $0xFFFFC000  }
0x229: {  	v3 =	vld [tilespmem:$0x3D8];
	_ =	sdelay $0x4  }
0x22a: {  	v4 =	vshll.u32 v3, $0x3  }
0x22b: {  	v3 =	vand.u32 $0x7, v3;
	v4 =	vand.u32 $0xFFFFFFC0, v4  }
0x22c: {  	v3 =	vor.u32 v3, v4  }
0x22d: {  	v4 =	vperm.xlane v3, v0;
	_ =	sdelay $0x1  }
0x22e: {  	v4 =	vadd.s32 v1, v4;
	_ =	sdelay $0x3  }
0x22f: {  	s21 =	simm.s32 $0x0;
	s0 =	simm.s32 $0x14400  }
0x230: {  	[tilespmem:s0], [sflag:$0x6] =	stream.indirect_vreg.gather [hbm4b:s3+s21], $0x80, v4, vm0, $0xb8;
	[tilespmem:$0x18400] =	vst v63  }
0x231: {  	s22 =	simm.s32 $0x14C00;
	v3 =	vperm.xlane v3, v2  }
0x232: {  	[tilespmem:s22], [sflag:$0x6] =	stream.indirect_vreg.gather [hbm4b:s11+s21], $0x80, v4, vm0, $0xb8;
	[tilespmem:$0x18400] =	vst v63  }
0x233: {  	s23 =	simm.s32 $0x15400;
	v3 =	vadd.s32 v1, v3  }
0x234: {  	[tilespmem:s23], [sflag:$0x6] =	stream.indirect_vreg.gather [hbm4b:s12+s21], $0x80, v4, vm0, $0xb8;
	[tilespmem:$0x18400] =	vst v63  }
0x235: {  	s24 =	simm.s32 $0x15C00  }
0x236: {  	[tilespmem:s24], [sflag:$0x6] =	stream.indirect_vreg.gather [hbm4b:s13+s21], $0x80, v4, vm0, $0xb8;
	[tilespmem:$0x18400] =	vst v63  }
0x237: {  	s25 =	simm.s32 $0x16400  }
0x238: {  	[tilespmem:s25], [sflag:$0x6] =	stream.indirect_vreg.gather [hbm4b:s3+s21], $0x80, v3, vm0, $0xb8;
	[tilespmem:$0x18400] =	vst v63  }
0x239: {  	s29 =	simm.s32 $0x16C00  }
0x23a: {  	[tilespmem:s29], [sflag:$0x6] =	stream.indirect_vreg.gather [hbm4b:s11+s21], $0x80, v3, vm0, $0xb8;
	[tilespmem:$0x18400] =	vst v63  }
0x23b: {  	s30 =	simm.s32 $0x17400  }
0x23c: {  	[tilespmem:s30], [sflag:$0x6] =	stream.indirect_vreg.gather [hbm4b:s12+s21], $0x80, v3, vm0, $0xb8;
	[tilespmem:$0x18400] =	vst v63  }
0x23d: {  	s31 =	simm.s32 $0x17C00;
	s22 =	simm.s32 $0x0;
	s23 =	simm.s32 $0x0  }
0x23e: {  	[tilespmem:s31], [sflag:$0x6] =	stream.indirect_vreg.gather [hbm4b:s13+s21], $0x80, v3, vm0, $0xb8;
	[tilespmem:$0x18400] =	vst v63  }
.LBB2_28:
0x23f: {  	s0 =	sand.u32 $0x7, s22  }
0x240: {  	s0 =	sshll.u32 s0, $0x9  }
0x241: {  	s2 =	sshrl.u32 s0, $0x2  }
0x242: {  	v3 =	vmov s2;
	_ =	sdelay $0x2  }
0x243: {  	s31 =	sand.u32 $0x3FFFE000, s21  }
0x244: {  	s19 =	sadd.s32 $0xC440, s31  }
0x245: {  	v4 =	vld.idx.msk [tilespmem:v3+s19+$0x30 ss:$0x1], $0xffff  }
0x246: {  	v5 =	vld.idx.msk [tilespmem:v3+s19+$0xFFFFFFD0 ss:$0x1], $0xffff  }
0x247: {  	v6 =	vld.idx.msk [tilespmem:v3+s19+$0xFFFFFFE0 ss:$0x1], $0xffff  }
0x248: {  	v7 =	vld.idx.msk [tilespmem:v3+s19+$0xFFFFFFF0 ss:$0x1], $0xffff  }
0x249: {  	v8 =	vld.idx.msk [tilespmem:v3+s19+$0x0 ss:$0x1], $0xffff  }
0x24a: {  	s0 =	sor.u32 $0x400, s31;
	v9 =	vld.idx.msk [tilespmem:v3+s19+$0x10 ss:$0x1], $0xffff  }
0x24b: {  	s24 =	sadd.s32 s2, s0;
	v10 =	vld.idx.msk [tilespmem:v3+s19+$0xFFFFFFC0 ss:$0x1], $0xffff  }
0x24c: {  	[tilespmem:s24+$0x70] =	vst.add.f32.msk $0xffff, v4  }
0x24d: {  	v4 =	vld.idx.msk [tilespmem:v3+s19+$0x20 ss:$0x1], $0xffff  }
0x24e: {  	[tilespmem:s24+$0x10] =	vst.add.f32.msk $0xffff, v5  }
0x24f: {  	[tilespmem:s24+$0x20] =	vst.add.f32.msk $0xffff, v6  }
0x250: {  	[tilespmem:s24+$0x30] =	vst.add.f32.msk $0xffff, v7  }
0x251: {  	[tilespmem:s24+$0x40] =	vst.add.f32.msk $0xffff, v8  }
0x252: {  	[tilespmem:s24+$0x50] =	vst.add.f32.msk $0xffff, v9  }
0x253: {  	[tilespmem:s24+$0x0] =	vst.add.f32.msk $0xffff, v10  }
0x254: {  	s7 =	simm.s32 $0x0;
	s19 =	sadd.s32 $0x400, s19;
	[tilespmem:s24+$0x60] =	vst.add.f32.msk $0xffff, v4  }
.LBB2_29:
0x255: {  	v4 =	vld.idx.msk [tilespmem:v3+s19+$0x30 ss:$0x1], $0xffff;
	s7 =	sadd.s32 $0x8, s7  }
0x256: {  	v5 =	vld.idx.msk [tilespmem:v3+s19+$0xFFFFFFD0 ss:$0x1], $0xffff;
	p0 =	slt.u32 s7, $0x38  }
0x257: {  	v6 =	vld.idx.msk [tilespmem:v3+s19+$0xFFFFFFE0 ss:$0x1], $0xffff  }
0x258: {  	v7 =	vld.idx.msk [tilespmem:v3+s19+$0xFFFFFFF0 ss:$0x1], $0xffff  }
0x259: {  	s0 =	sadd.s32 $0x400, s0;
	v8 =	vld.idx.msk [tilespmem:v3+s19+$0x0 ss:$0x1], $0xffff  }
0x25a: {  	s24 =	sadd.s32 s2, s0;
	v9 =	vld.idx.msk [tilespmem:v3+s19+$0x10 ss:$0x1], $0xffff  }
0x25b: {  	[tilespmem:s24+$0x70] =	vst.add.f32.msk $0xffff, v4  }
0x25c: {  	v4 =	vld.idx.msk [tilespmem:v3+s19+$0x20 ss:$0x1], $0xffff  }
0x25d: {  	v10 =	vld.idx.msk [tilespmem:v3+s19+$0xFFFFFFC0 ss:$0x1], $0xffff  }
0x25e: {  	[tilespmem:s24+$0x10] =	vst.add.f32.msk $0xffff, v5  }
0x25f: {  	[tilespmem:s24+$0x20] =	vst.add.f32.msk $0xffff, v6  }
.Ltmp13:
0x260: {  	[tilespmem:s24+$0x30] =	vst.add.f32.msk $0xffff, v7;
	(pc) =	sbr.rel @p0 .LBB2_29-.Ltmp13, $4  }
0x261: {  	[tilespmem:s24+$0x40] =	vst.add.f32.msk $0xffff, v8  }
0x262: {  	[tilespmem:s24+$0x50] =	vst.add.f32.msk $0xffff, v9  }
0x263: {  	[tilespmem:s24+$0x0] =	vst.add.f32.msk $0xffff, v10  }
0x264: {  	s19 =	sadd.s32 $0x400, s19;
	[tilespmem:s24+$0x60] =	vst.add.f32.msk $0xffff, v4  }
0x265: {  	s23 =	sadd.s32 $0x1, s23  }
0x266: {  	p0 =	sne.s32 s23, $0x10  }
.Ltmp14:
0x267: {  	_ = 	snop;
	(pc) =	sbr.rel @p0 .LBB2_28-.Ltmp14, $2  }
0x268: {  	_ =	sdelay $0x2  }
0x269: {  	s22 =	sadd.s32 $0x1, s22;
	s21 =	sadd.s32 $0x400, s21  }
0x26a: {  	s21 =	simm.s32 $0x0;
	s0 =	rddreg [dreg:$0xf];
	s2 =	simm.s32 $0x400  }
0x26b: {  	[hbm4b:s0+s21] =	stream.linear.scatter [tilespmem:s2], [sflag:$0x7], $0x4000, $0x38;
	[tilespmem:$0x18400] =	vst v63  }
0x26c: {  	_ =	swait.ge [sflag:s20], $0x4000  }
0x26d: {  	[sflag:s20] =	ssyncset.done $0x0  }
0x26e: {  	s31 =	rddreg [dreg:$0x10];
	[sflag:s20] =	ssyncadd.s32 $0xFFFFC000  }
0x26f: {  	[tilespmem:s28], [sflag:$0x3] =	stream.linear.gather [hbm4b:s31+s21], $0x4000, $0x38;
	[tilespmem:$0x18400] =	vst v63  }
0x270: {  	_ =	swait.ge [sflag:s10], $0x4000  }
0x271: {  	[sflag:s10] =	ssyncset.done $0x0  }
0x272: {  	[sflag:s10] =	ssyncadd.s32 $0xFFFFC000  }
0x273: {  	_ =	swait.ge [sflag:s14], $0x4000  }
0x274: {  	[sflag:s14] =	ssyncset.done $0x0  }
0x275: {  	s22 =	simm.s32 $0x0;
	s23 =	simm.s32 $0x0;
	[sflag:s14] =	ssyncadd.s32 $0xFFFFC000  }
.LBB2_32:
0x276: {  	s0 =	sand.u32 $0x7, s22  }
0x277: {  	s0 =	sshll.u32 s0, $0x9  }
0x278: {  	s2 =	sshrl.u32 s0, $0x2  }
0x279: {  	v3 =	vmov s2;
	_ =	sdelay $0x2  }
0x27a: {  	s31 =	sand.u32 $0x3FFFE000, s21  }
0x27b: {  	s19 =	sadd.s32 $0x10440, s31  }
0x27c: {  	v4 =	vld.idx.msk [tilespmem:v3+s19+$0x30 ss:$0x1], $0xffff  }
0x27d: {  	v5 =	vld.idx.msk [tilespmem:v3+s19+$0xFFFFFFD0 ss:$0x1], $0xffff  }
0x27e: {  	v6 =	vld.idx.msk [tilespmem:v3+s19+$0xFFFFFFE0 ss:$0x1], $0xffff  }
0x27f: {  	v7 =	vld.idx.msk [tilespmem:v3+s19+$0xFFFFFFF0 ss:$0x1], $0xffff  }
0x280: {  	v8 =	vld.idx.msk [tilespmem:v3+s19+$0x0 ss:$0x1], $0xffff  }
0x281: {  	s0 =	sadd.s32 $0x4400, s31;
	v9 =	vld.idx.msk [tilespmem:v3+s19+$0x10 ss:$0x1], $0xffff  }
0x282: {  	s24 =	sadd.s32 s2, s0;
	v10 =	vld.idx.msk [tilespmem:v3+s19+$0xFFFFFFC0 ss:$0x1], $0xffff  }
0x283: {  	[tilespmem:s24+$0x70] =	vst.add.f32.msk $0xffff, v4  }
0x284: {  	v4 =	vld.idx.msk [tilespmem:v3+s19+$0x20 ss:$0x1], $0xffff  }
0x285: {  	[tilespmem:s24+$0x10] =	vst.add.f32.msk $0xffff, v5  }
0x286: {  	[tilespmem:s24+$0x20] =	vst.add.f32.msk $0xffff, v6  }
0x287: {  	[tilespmem:s24+$0x30] =	vst.add.f32.msk $0xffff, v7  }
0x288: {  	[tilespmem:s24+$0x40] =	vst.add.f32.msk $0xffff, v8  }
0x289: {  	[tilespmem:s24+$0x50] =	vst.add.f32.msk $0xffff, v9  }
0x28a: {  	[tilespmem:s24+$0x0] =	vst.add.f32.msk $0xffff, v10  }
0x28b: {  	s7 =	simm.s32 $0x0;
	s19 =	sadd.s32 $0x400, s19;
	[tilespmem:s24+$0x60] =	vst.add.f32.msk $0xffff, v4  }
.LBB2_33:
0x28c: {  	v4 =	vld.idx.msk [tilespmem:v3+s19+$0x30 ss:$0x1], $0xffff;
	s7 =	sadd.s32 $0x8, s7  }
0x28d: {  	v5 =	vld.idx.msk [tilespmem:v3+s19+$0xFFFFFFD0 ss:$0x1], $0xffff;
	p0 =	slt.u32 s7, $0x38  }
0x28e: {  	v6 =	vld.idx.msk [tilespmem:v3+s19+$0xFFFFFFE0 ss:$0x1], $0xffff  }
0x28f: {  	v7 =	vld.idx.msk [tilespmem:v3+s19+$0xFFFFFFF0 ss:$0x1], $0xffff  }
0x290: {  	s0 =	sadd.s32 $0x400, s0;
	v8 =	vld.idx.msk [tilespmem:v3+s19+$0x0 ss:$0x1], $0xffff  }
0x291: {  	s24 =	sadd.s32 s2, s0;
	v9 =	vld.idx.msk [tilespmem:v3+s19+$0x10 ss:$0x1], $0xffff  }
0x292: {  	[tilespmem:s24+$0x70] =	vst.add.f32.msk $0xffff, v4  }
0x293: {  	v4 =	vld.idx.msk [tilespmem:v3+s19+$0x20 ss:$0x1], $0xffff  }
0x294: {  	v10 =	vld.idx.msk [tilespmem:v3+s19+$0xFFFFFFC0 ss:$0x1], $0xffff  }
0x295: {  	[tilespmem:s24+$0x10] =	vst.add.f32.msk $0xffff, v5  }
0x296: {  	[tilespmem:s24+$0x20] =	vst.add.f32.msk $0xffff, v6  }
.Ltmp15:
0x297: {  	[tilespmem:s24+$0x30] =	vst.add.f32.msk $0xffff, v7;
	(pc) =	sbr.rel @p0 .LBB2_33-.Ltmp15, $4  }
0x298: {  	[tilespmem:s24+$0x40] =	vst.add.f32.msk $0xffff, v8  }
0x299: {  	[tilespmem:s24+$0x50] =	vst.add.f32.msk $0xffff, v9  }
0x29a: {  	[tilespmem:s24+$0x0] =	vst.add.f32.msk $0xffff, v10  }
0x29b: {  	s19 =	sadd.s32 $0x400, s19;
	[tilespmem:s24+$0x60] =	vst.add.f32.msk $0xffff, v4  }
0x29c: {  	s23 =	sadd.s32 $0x1, s23  }
0x29d: {  	p0 =	sne.s32 s23, $0x10  }
.Ltmp16:
0x29e: {  	_ = 	snop;
	(pc) =	sbr.rel @p0 .LBB2_32-.Ltmp16, $2  }
0x29f: {  	_ =	sdelay $0x2  }
0x2a0: {  	s22 =	sadd.s32 $0x1, s22;
	s21 =	sadd.s32 $0x400, s21  }
0x2a1: {  	s21 =	simm.s32 $0x0;
	s0 =	rddreg [dreg:$0x11]  }
0x2a2: {  	[hbm4b:s0+s21] =	stream.linear.scatter [tilespmem:s26], [sflag:$0x8], $0x4000, $0x38;
	[tilespmem:$0x18400] =	vst v63  }
0x2a3: {  	_ =	swait.ge [sflag:s16], $0x4000  }
0x2a4: {  	[sflag:s16] =	ssyncset.done $0x0  }
0x2a5: {  	[sflag:s16] =	ssyncadd.s32 $0xFFFFC000  }
0x2a6: {  	_ =	swait.ge [sflag:s17], $0x4000  }
0x2a7: {  	[sflag:s17] =	ssyncset.done $0x0  }
0x2a8: {  	s22 =	simm.s32 $0x0;
	s23 =	simm.s32 $0x0;
	[sflag:s17] =	ssyncadd.s32 $0xFFFFC000  }
.LBB2_36:
0x2a9: {  	s0 =	sand.u32 $0x7, s22  }
0x2aa: {  	s0 =	sshll.u32 s0, $0x9  }
0x2ab: {  	s2 =	sshrl.u32 s0, $0x2  }
0x2ac: {  	v3 =	vmov s2;
	_ =	sdelay $0x2  }
0x2ad: {  	s31 =	sand.u32 $0x3FFFE000, s21  }
0x2ae: {  	s19 =	sadd.s32 $0x14440, s31  }
0x2af: {  	v4 =	vld.idx.msk [tilespmem:v3+s19+$0x30 ss:$0x1], $0xffff  }
0x2b0: {  	v5 =	vld.idx.msk [tilespmem:v3+s19+$0xFFFFFFD0 ss:$0x1], $0xffff  }
0x2b1: {  	v6 =	vld.idx.msk [tilespmem:v3+s19+$0xFFFFFFE0 ss:$0x1], $0xffff  }
0x2b2: {  	v7 =	vld.idx.msk [tilespmem:v3+s19+$0xFFFFFFF0 ss:$0x1], $0xffff  }
0x2b3: {  	v8 =	vld.idx.msk [tilespmem:v3+s19+$0x0 ss:$0x1], $0xffff  }
0x2b4: {  	s0 =	sadd.s32 $0x8400, s31;
	v9 =	vld.idx.msk [tilespmem:v3+s19+$0x10 ss:$0x1], $0xffff  }
0x2b5: {  	s24 =	sadd.s32 s2, s0;
	v10 =	vld.idx.msk [tilespmem:v3+s19+$0xFFFFFFC0 ss:$0x1], $0xffff  }
0x2b6: {  	[tilespmem:s24+$0x70] =	vst.add.f32.msk $0xffff, v4  }
0x2b7: {  	v4 =	vld.idx.msk [tilespmem:v3+s19+$0x20 ss:$0x1], $0xffff  }
0x2b8: {  	[tilespmem:s24+$0x10] =	vst.add.f32.msk $0xffff, v5  }
0x2b9: {  	[tilespmem:s24+$0x20] =	vst.add.f32.msk $0xffff, v6  }
0x2ba: {  	[tilespmem:s24+$0x30] =	vst.add.f32.msk $0xffff, v7  }
0x2bb: {  	[tilespmem:s24+$0x40] =	vst.add.f32.msk $0xffff, v8  }
0x2bc: {  	[tilespmem:s24+$0x50] =	vst.add.f32.msk $0xffff, v9  }
0x2bd: {  	[tilespmem:s24+$0x0] =	vst.add.f32.msk $0xffff, v10  }
0x2be: {  	s7 =	simm.s32 $0x0;
	s19 =	sadd.s32 $0x400, s19;
	[tilespmem:s24+$0x60] =	vst.add.f32.msk $0xffff, v4  }
.LBB2_37:
0x2bf: {  	v4 =	vld.idx.msk [tilespmem:v3+s19+$0x30 ss:$0x1], $0xffff;
	s7 =	sadd.s32 $0x8, s7  }
0x2c0: {  	v5 =	vld.idx.msk [tilespmem:v3+s19+$0xFFFFFFD0 ss:$0x1], $0xffff;
	p0 =	slt.u32 s7, $0x38  }
0x2c1: {  	v6 =	vld.idx.msk [tilespmem:v3+s19+$0xFFFFFFE0 ss:$0x1], $0xffff  }
0x2c2: {  	v7 =	vld.idx.msk [tilespmem:v3+s19+$0xFFFFFFF0 ss:$0x1], $0xffff  }
0x2c3: {  	s0 =	sadd.s32 $0x400, s0;
	v8 =	vld.idx.msk [tilespmem:v3+s19+$0x0 ss:$0x1], $0xffff  }
0x2c4: {  	s24 =	sadd.s32 s2, s0;
	v9 =	vld.idx.msk [tilespmem:v3+s19+$0x10 ss:$0x1], $0xffff  }
0x2c5: {  	[tilespmem:s24+$0x70] =	vst.add.f32.msk $0xffff, v4  }
0x2c6: {  	v4 =	vld.idx.msk [tilespmem:v3+s19+$0x20 ss:$0x1], $0xffff  }
0x2c7: {  	v10 =	vld.idx.msk [tilespmem:v3+s19+$0xFFFFFFC0 ss:$0x1], $0xffff  }
0x2c8: {  	[tilespmem:s24+$0x10] =	vst.add.f32.msk $0xffff, v5  }
0x2c9: {  	[tilespmem:s24+$0x20] =	vst.add.f32.msk $0xffff, v6  }
.Ltmp17:
0x2ca: {  	[tilespmem:s24+$0x30] =	vst.add.f32.msk $0xffff, v7;
	(pc) =	sbr.rel @p0 .LBB2_37-.Ltmp17, $4  }
0x2cb: {  	[tilespmem:s24+$0x40] =	vst.add.f32.msk $0xffff, v8  }
0x2cc: {  	[tilespmem:s24+$0x50] =	vst.add.f32.msk $0xffff, v9  }
0x2cd: {  	[tilespmem:s24+$0x0] =	vst.add.f32.msk $0xffff, v10  }
0x2ce: {  	s19 =	sadd.s32 $0x400, s19;
	[tilespmem:s24+$0x60] =	vst.add.f32.msk $0xffff, v4  }
0x2cf: {  	s23 =	sadd.s32 $0x1, s23  }
0x2d0: {  	p0 =	sne.s32 s23, $0x10  }
.Ltmp18:
0x2d1: {  	_ = 	snop;
	(pc) =	sbr.rel @p0 .LBB2_36-.Ltmp18, $2  }
0x2d2: {  	_ =	sdelay $0x2  }
0x2d3: {  	s22 =	sadd.s32 $0x1, s22;
	s21 =	sadd.s32 $0x400, s21  }
0x2d4: {  	s0 =	rddreg [dreg:$0x12]  }
0x2d5: {  	[hbm4b:s0+s5] =	stream.linear.scatter [tilespmem:s28], [sflag:$0x9], $0x4000, $0x38;
	[tilespmem:$0x18400] =	vst v63  }
0x2d6: {  	_ =	swait.ge [sflag:s15], $0x4000  }
0x2d7: {  	[sflag:s15] =	ssyncset.done $0x0  }
0x2d8: {  	[sflag:s15] =	ssyncadd.s32 $0xFFFFC000  }
0x2d9: {  	_ =	swait.ge [sflag:s18], $0x4000  }
0x2da: {  	[sflag:s18] =	ssyncset.done $0x0  }
0x2db: {  	[sflag:s18] =	ssyncadd.s32 $0xFFFFC000  }
0x2dc: {  	_ =	swait.ge [sflag:s20], $0x4000  }
0x2dd: {  	s2 =	rddreg [dreg:$0x14]  }
0x2de: {  	s31 =	rddreg [dreg:$0x13];
	s2 =	sadd.s32 $0x1, s2  }
0x2df: {  	p0 =	sne.s32 s2, s31  }
.Ltmp19:
0x2e0: {  	_ = 	snop;
	(pc) =	sbr.rel @p0 .LBB2_1-.Ltmp19, $3  }
0x2e1: {  	_ =	sdelay $0x1  }
0x2e2: {  	[sflag:s20] =	ssyncset.done $0x0  }
0x2e3: {  	[sflag:s20] =	ssyncadd.s32 $0xFFFFC000  }
0x2e4: {  	_ =	sfence.sel $0x180000  }
0x2e5: {  	[bflag:$0x0] =	sbarrier.arrive $0xFFFF  }
0x2e6: {  	_ =	strace $0x90000047  }
0x2e7: {  	s0 =	stileid.u32;
	[bflag:$0x2] =	sbarrier.arrive $0xFFFF  }
0x2e8: {  	p0 =	sne.s32 s0, $0x0;
	s0 =	rddreg [dreg:$0x4]  }
0x2e9: {  	s0 =	sadd.s32 @!p0 $0x100000, s0  }
0x2ea: {  	[sflag:s0] =	ssyncadd.tile.s32 @!p0 $0x1;
	_ =	shalt  }
.Lfunc_end2:
_tile_overlayer_lowered:
.L_overlay_start_2:
0x2eb: {  	(tag) =	ssettag $0x2  }
0x2ec: {  	s0 =	rddreg [dreg:$0x0];
	s2 =	stileid.u32  }
0x2ed: {  	s1 =	rddreg [dreg:$0x1];
	p0 =	sne.s32 s2, $0x0  }
0x2ee: {  	s3 =	rddreg [dreg:$0x2];
	[bflag:$0x3] =	sbarrier.arrive $0xFFFF;
	s2 =	simm.s32 @!p0 $0x1C0A  }
0x2ef: {  	[timem:s3], [sflag:s2] =	dma.local @!p0 [hbm:s0], s1  }
0x2f0: {  	s0 =	simm.s32 @!p0 $0xA  }
0x2f1: {  	_ =	swait.ge @!p0 [sflag:s0], s1  }
0x2f2: {  	s1 =	ssub.s32 @!p0 $0x0, s1;
	[sflag:s0] =	ssyncset.done @!p0 $0x0  }
0x2f3: {  	[sflag:s0] =	ssyncadd.s32 @!p0 s1  }
0x2f4: {  	[bflag:$0x3] =	sbarrier.arrive $0xFFFF  }
0x2f5: {  	_ =	shalt  }

</sc_bundles>
